<compile_context>
chip_gen: v7x
topology: tpu7x:2x2x1
jax: 0.10.2.dev20260603
libtpu: 0.0.44.dev20260713+nightly
codegen_flags: <defaults>
</compile_context>

<pallas_src>
import functools

import jax
import jax.numpy as jnp
from jax import lax
from jax.experimental import pallas as pl
from jax.experimental.pallas import tpu as pltpu
from jax.experimental.pallas import tpu_sc as plsc



def _dense_a_body(x_ref, waug_ref, wad_ref, aug_ref, ad_ref):
  x = x_ref[...]
  aug_ref[...] = jnp.dot(x, waug_ref[...], preferred_element_type=jnp.float32)
  ad_ref[...] = jnp.dot(x, wad_ref[...], preferred_element_type=jnp.float32)


def _dense_c_body(accp_ref, expand_ref, bias_ref, w2_ref, w2aug_ref, w2ad_ref,
                  aug2_ref, ad2_ref):
  acc = accp_ref[0] + accp_ref[1]
  num = acc[:, :128]
  den = acc[:, 128:144]
  denb = jnp.dot(den, expand_ref[...], preferred_element_type=jnp.float32)
  z = num / (denb + 1e-16) + bias_ref[...]
  h1a = jnp.where(z > 0, z, jnp.exp(z) - 1.0)
  h2 = jnp.dot(h1a, w2_ref[...], preferred_element_type=jnp.float32)
  aug2_ref[...] = jnp.dot(h2, w2aug_ref[...], preferred_element_type=jnp.float32)
  ad2_ref[...] = jnp.dot(h2, w2ad_ref[...], preferred_element_type=jnp.float32)


def _dense_e_body(accp_ref, avg_ref, bias_ref, out_ref):
  acc = accp_ref[0] + accp_ref[1]
  num = acc[:, :64]
  den = acc[:, 64:80]
  denb = jnp.dot(den, avg_ref[...], preferred_element_type=jnp.float32)
  out_ref[...] = num / (denb + 1e-16) + bias_ref[...]


def _row_grid_call(body, n, blk, in_shapes, out_shapes, blocked_in, blocked_out):
  grid = n // blk
  in_specs = []
  for shape, b in zip(in_shapes, blocked_in):
    if b:
      nlead = len(shape) - 2
      in_specs.append(pl.BlockSpec(
          shape[:nlead] + (blk, shape[-1]),
          lambda i, _n=nlead: (0,) * _n + (i, 0)))
    else:
      in_specs.append(pl.BlockSpec(shape, lambda i, _r=len(shape): (0,) * _r))
  out_specs = []
  for shape, b in zip(out_shapes, blocked_out):
    assert b
    out_specs.append(pl.BlockSpec((blk, shape[-1]), lambda i: (i, 0)))
  return pl.pallas_call(
      body,
      grid=(grid,),
      in_specs=in_specs,
      out_specs=out_specs[0] if len(out_specs) == 1 else out_specs,
      out_shape=[jax.ShapeDtypeStruct(s, jnp.float32) for s in out_shapes]
      if len(out_shapes) > 1 else jax.ShapeDtypeStruct(out_shapes[0], jnp.float32),
  )



def _make_edge_aggregator(n, e, feat, logit_replicated):
  roww = feat + 16
  C = 125
  info = plsc.get_sparse_core_info()
  nc, ns = info.num_cores, info.num_subcores
  nw = nc * ns
  assert e % (C * nw) == 0
  nchunks = e // (C * nw)
  rps = 8 * (-(-n // (ns * 8)))
  ZR = 96
  nz = -(-rps // ZR)

  mesh = plsc.VectorSubcoreMesh(core_axis_name="c", subcore_axis_name="s")

  @functools.partial(
      pl.kernel,
      mesh=mesh,
      compiler_params=pltpu.CompilerParams(use_tc_tiling_on_sc=False),
      out_type=jax.ShapeDtypeStruct((nc, n, roww), jnp.float32),
      scratch_types=[
          pltpu.VMEM((2, C), jnp.int32),
          pltpu.VMEM((2, C), jnp.int32),
          pltpu.VMEM((C, roww), jnp.float32),
          pltpu.VMEM((C, roww), jnp.float32),
          pltpu.VMEM((C, 16), jnp.float32),
          pltpu.VMEM((C, 16), jnp.float32),
          pltpu.VMEM_SHARED((n, roww), jnp.float32),
          pltpu.SemaphoreType.DMA,
          pltpu.SemaphoreType.DMA,
          pltpu.SemaphoreType.DMA,
          pltpu.SemaphoreType.DMA,
      ],
  )
  def agg(aug_hbm, ad_hbm, idx_hbm, out_hbm,
          idx_a, idx_b, rows_a, rows_b, ad_a, ad_b,
          acc_sh, gsem_a, gsem_b, ssem_a, ssem_b):
    cid = lax.axis_index("c")
    sid = lax.axis_index("s")
    wid = sid * nc + cid
    zero16 = jnp.zeros((16,), jnp.float32)
    bufs = ((idx_a, rows_a, ad_a, gsem_a, ssem_a),
            (idx_b, rows_b, ad_b, gsem_b, ssem_b))

    def zrow(i, _):
      for g in range(roww // 16):
        rows_a[i, pl.ds(16 * g, 16)] = zero16
      return 0
    lax.fori_loop(0, C, zrow, 0)

    r0 = jnp.minimum(sid * rps, n - rps)
    def zchunk(i, _):
      z0 = r0 + jnp.minimum(i * ZR, rps - ZR)
      pltpu.sync_copy(rows_a.at[pl.ds(0, ZR)], acc_sh.at[pl.ds(z0, ZR)])
      return 0
    lax.fori_loop(0, nz, zchunk, 0)
    plsc.subcore_barrier()

    base = wid * nchunks

    def prefetch(g, buf):
      idx_v, rows_v, adrows_v, gsem, _ = buf
      pltpu.sync_copy(idx_hbm.at[g], idx_v)
      pltpu.async_copy(aug_hbm.at[idx_v.at[0]], rows_v, gsem)
      pltpu.async_copy(ad_hbm.at[idx_v.at[1]], adrows_v, gsem)

    def wait_gathers(buf):
      idx_v, rows_v, adrows_v, gsem, _ = buf
      pltpu.make_async_copy(aug_hbm.at[idx_v.at[0]], rows_v, gsem).wait()
      pltpu.make_async_copy(ad_hbm.at[idx_v.at[1]], adrows_v, gsem).wait()

    def wait_scatter(buf):
      idx_v, rows_v, _, _, ssem = buf
      pltpu.make_async_copy(rows_v, acc_sh.at[idx_v.at[1]], ssem).wait()

    def compute_and_scatter(buf):
      idx_v, rows_v, adrows_v, _, ssem = buf

      def edge(k, _):
        a = rows_v[k, pl.ds(feat, 16)] + adrows_v[k]
        a = jnp.maximum(a, 0.2 * a)
        p = jnp.exp(a)
        if logit_replicated:
          for g in range(feat // 16):
            rows_v[k, pl.ds(16 * g, 16)] = rows_v[k, pl.ds(16 * g, 16)] * p
        else:
          for h in range(feat // 16):
            rows_v[k, pl.ds(16 * h, 16)] = rows_v[k, pl.ds(16 * h, 16)] * p[h]
        rows_v[k, pl.ds(feat, 16)] = p
        return 0
      lax.fori_loop(0, C, edge, 0)
      pltpu.async_copy(rows_v, acc_sh.at[idx_v.at[1]], ssem, add=True)

    prefetch(base, bufs[0])

    def chunk(i, _):
      for par in (0, 1):
        @pl.when((i & 1) == par)
        def _():
          cur, nxt = bufs[par], bufs[1 - par]

          @pl.when(i >= 1)
          def _():
            wait_scatter(nxt)

          @pl.when(i + 1 < nchunks)
          def _():
            prefetch(base + i + 1, nxt)

          wait_gathers(cur)
          compute_and_scatter(cur)
      return 0
    lax.fori_loop(0, nchunks, chunk, 0)
    wait_scatter(bufs[(nchunks - 1) & 1])
    plsc.subcore_barrier()

    pltpu.sync_copy(acc_sh.at[pl.ds(r0, rps)],
                    out_hbm.at[cid, pl.ds(r0, rps)])

  return agg



def kernel(x, edge_index, W1, att_src1, att_dst1, bias1,
           W2, att_src2, att_dst2, bias2):
  n, in_dim = x.shape
  e = edge_index.shape[1]
  heads, hid = att_src1.shape
  out_dim = W2.shape[1]
  f1 = heads * hid
  blk = 1000

  idx3d = jnp.stack([edge_index[0].reshape(-1, 125),
                     edge_index[1].reshape(-1, 125)], axis=1)

  head_of_col = jnp.arange(f1) // hid
  onehot = jnp.eye(heads, dtype=jnp.float32)[head_of_col]
  As = onehot * att_src1.reshape(f1)[:, None]
  Ad = onehot * att_dst1.reshape(f1)[:, None]
  pad8 = jnp.zeros((f1, 16 - heads), jnp.float32)
  As16 = jnp.concatenate([As, pad8], axis=1)
  Ad16 = jnp.concatenate([Ad, pad8], axis=1)
  Waug = jnp.concatenate([W1, jnp.dot(W1, As16)], axis=1)
  Wad = jnp.dot(W1, Ad16)
  expand = jnp.concatenate(
      [onehot.T, jnp.zeros((16 - heads, f1), jnp.float32)], axis=0)
  ones16 = jnp.ones((1, 16), jnp.float32)
  AS2rep = att_src2.reshape(out_dim, 1) @ ones16
  AD2rep = att_dst2.reshape(out_dim, 1) @ ones16
  W2aug = jnp.concatenate([jnp.eye(out_dim, dtype=jnp.float32), AS2rep],
                          axis=1)
  avg = jnp.full((16, out_dim), 1.0 / 16.0, jnp.float32)
  bias1r = bias1.reshape(1, f1)
  bias2r = bias2.reshape(1, out_dim)

  aug1, ad1 = _row_grid_call(
      _dense_a_body, n, blk,
      [(n, in_dim), (in_dim, f1 + 16), (in_dim, 16)],
      [(n, f1 + 16), (n, 16)],
      [True, False, False], [True, True])(x, Waug, Wad)

  accp1 = _make_edge_aggregator(n, e, f1, logit_replicated=False)(
      aug1, ad1, idx3d)

  aug2, ad2 = _row_grid_call(
      _dense_c_body, n, blk,
      [(2, n, f1 + 16), (16, f1), (1, f1), (f1, out_dim), (out_dim, out_dim + 16),
       (out_dim, 16)],
      [(n, out_dim + 16), (n, 16)],
      [True, False, False, False, False, False], [True, True])(
          accp1, expand, bias1r, W2, W2aug, AD2rep)

  accp2 = _make_edge_aggregator(n, e, out_dim, logit_replicated=True)(
      aug2, ad2, idx3d)

  out = _row_grid_call(
      _dense_e_body, n, blk,
      [(2, n, out_dim + 16), (16, out_dim), (1, out_dim)],
      [(n, out_dim)],
      [True, False, False], [True])(accp2, avg, bias2r)
  return out

# --- scband reference (transcript-rebuilt; emitter-appended) ---
"""Pipeline reference for scband-gat-56152402428487 (READ-ONLY COPY).

The authoritative reference and input builder live on the scoring server;
editing this copy changes nothing except your own understanding.
"""

import jax, jax.numpy as jnp
import numpy as np

N = 10000
E = 320000
IN = 128
HID = 16
HEADS = 8
OUT = 64


def setup_inputs(seed: int = 0) -> dict:
    key = jax.random.key(seed)
    ks = jax.random.split(key, 10)
    x = jax.random.normal(ks[0], (N, IN), dtype=jnp.float32)
    edge_index = jax.random.randint(ks[1], (2, E), 0, N, dtype=jnp.int32)
    W1 = jax.random.normal(ks[2], (IN, HEADS * HID), dtype=jnp.float32) * 0.1
    att_src1 = jax.random.normal(ks[3], (HEADS, HID), dtype=jnp.float32) * 0.1
    att_dst1 = jax.random.normal(ks[4], (HEADS, HID), dtype=jnp.float32) * 0.1
    bias1 = jnp.zeros((HEADS * HID,), dtype=jnp.float32)
    W2 = jax.random.normal(ks[5], (HEADS * HID, OUT), dtype=jnp.float32) * 0.1
    att_src2 = jax.random.normal(ks[6], (1, OUT), dtype=jnp.float32) * 0.1
    att_dst2 = jax.random.normal(ks[7], (1, OUT), dtype=jnp.float32) * 0.1
    bias2 = jnp.zeros((OUT,), dtype=jnp.float32)
    return {"x": x, "edge_index": edge_index, "W1": W1, "att_src1": att_src1,
            "att_dst1": att_dst1, "bias1": bias1, "W2": W2, "att_src2": att_src2,
            "att_dst2": att_dst2, "bias2": bias2}


def gat_conv(x, edge_index, W, att_src, att_dst, bias, heads, out_ch, concat):
    n = x.shape[0]
    src = edge_index[0]
    dst = edge_index[1]
    h = (x @ W).reshape(n, heads, out_ch)
    a_s = jnp.sum(h * att_src[None, :, :], axis=-1)  # [N, heads]
    a_d = jnp.sum(h * att_dst[None, :, :], axis=-1)  # [N, heads]
    e = jax.nn.leaky_relu(a_s[src] + a_d[dst], negative_slope=0.2)  # [E, heads]
    m = jax.ops.segment_max(e, dst, num_segments=n)
    m = jnp.where(jnp.isfinite(m), m, 0.0)
    p = jnp.exp(e - m[dst])
    denom = jax.ops.segment_sum(p, dst, num_segments=n)
    alpha = p / (denom[dst] + 1e-16)  # softmax over incoming edges per dst node
    out = jax.ops.segment_sum(h[src] * alpha[:, :, None], dst, num_segments=n)
    if concat:
        out = out.reshape(n, heads * out_ch)
    else:
        out = out.mean(axis=1)
    return out + bias


def reference(x, edge_index, W1, att_src1, att_dst1, bias1, W2, att_src2, att_dst2, bias2):
    # dropout p=0.0 -> identity
    h = jax.nn.elu(gat_conv(x, edge_index, W1, att_src1, att_dst1, bias1, HEADS, HID, True))
    out = gat_conv(h, edge_index, W2, att_src2, att_dst2, bias2, 1, OUT, False)
    return out

if __name__ == "__main__":
    import jax
    _d = setup_inputs()
    print(jax.jit(kernel)(*tuple(_d.values())))

</pallas_src>

<mosaic_0001>
#map = affine_map<(d0, d1) -> (0, 0)>
#map1 = affine_map<(d0, d1) -> (0, 0, 0)>
module attributes {stable_mosaic.version = 14 : i64} {
  func.func @agg(%arg0: i32, %arg1: i32, %arg2: memref<10000x80xf32, #tpu.memory_space<hbm>>, %arg3: memref<10000x16xf32, #tpu.memory_space<hbm>>, %arg4: memref<2560x2x125xi32, #tpu.memory_space<hbm>>, %arg5: memref<2x10000x80xf32, #tpu.memory_space<hbm>>, %arg6: memref<2x125xi32, #tpu.memory_space<vmem>>, %arg7: memref<2x125xi32, #tpu.memory_space<vmem>>, %arg8: memref<125x80xf32, #tpu.memory_space<vmem>>, %arg9: memref<125x80xf32, #tpu.memory_space<vmem>>, %arg10: memref<125x16xf32, #tpu.memory_space<vmem>>, %arg11: memref<125x16xf32, #tpu.memory_space<vmem>>, %arg12: memref<10000x80xf32, #tpu.memory_space<vmem_shared>>, %arg13: memref<!tpu.dma_semaphore, #tpu.memory_space<semaphore_mem>>, %arg14: memref<!tpu.dma_semaphore, #tpu.memory_space<semaphore_mem>>, %arg15: memref<!tpu.dma_semaphore, #tpu.memory_space<semaphore_mem>>, %arg16: memref<!tpu.dma_semaphore, #tpu.memory_space<semaphore_mem>>) attributes {dimension_semantics = [#tpu.dimension_semantics<core_parallel>, #tpu.dimension_semantics<subcore_parallel>], iteration_bounds = array<i64: 2, 16>, scalar_prefetch = 0 : i64, scratch_operands = 11 : i64, tpu.core_type = #tpu.core_type<sc_vector_subcore>, window_params = [{transform_indices = #map}, {transform_indices = #map}, {transform_indices = #map1}, {transform_indices = #map1}]} {
    %mul3A = arith.constant 2 : i32
    %mul3A_0 = arith.muli %arg1, %mul3A : i32
    %add3A = arith.addi %mul3A_0, %arg0 : i32
    %broadcast_in_dim3A = arith.constant 0.000000e+00 : f32
    %broadcast_in_dim3A_1 = vector.broadcast %broadcast_in_dim3A : f32 to vector<16xf32>
    %scan3A = arith.constant 0 : i32
    %scan3A_2 = arith.constant 0 : i32
    %scan3A_3 = arith.constant 125 : i32
    %scan3A_4 = arith.addi %scan3A_2, %scan3A_3 : i32
    %scan3A_5 = arith.constant 1 : i32
    %scan3A_6 = scf.for %scan3A_47 = %scan3A_2 to %scan3A_4 step %scan3A_5 iter_args(%scan3A_48 = %scan3A) -> (i32)  : i32 {
      %swap3A = arith.index_cast %scan3A_47 : i32 to index
      %swap3A_49 = arith.constant 0 : index
      %swap3A_50 = tpu.vector_load %arg8[%swap3A, %swap3A_49] {strides = array<i32>} : memref<125x80xf32, #tpu.memory_space<vmem>>, vector<1x16xf32>,
      %swap3A_51 = vector.shape_cast %swap3A_50 : vector<1x16xf32> to vector<16xf32>
      %swap3A_52 = vector.shape_cast %broadcast_in_dim3A_1 : vector<16xf32> to vector<1x16xf32>
      tpu.vector_store %arg8[%swap3A, %swap3A_49], %swap3A_52 {strides = array<i32>} : memref<125x80xf32, #tpu.memory_space<vmem>>, vector<1x16xf32>,
      %swap3A_53 = arith.index_cast %scan3A_47 : i32 to index
      %swap3A_54 = arith.constant 16 : index
      %swap3A_55 = tpu.vector_load %arg8[%swap3A_53, %swap3A_54] {strides = array<i32>} : memref<125x80xf32, #tpu.memory_space<vmem>>, vector<1x16xf32>,
      %swap3A_56 = vector.shape_cast %swap3A_55 : vector<1x16xf32> to vector<16xf32>
      %swap3A_57 = vector.shape_cast %broadcast_in_dim3A_1 : vector<16xf32> to vector<1x16xf32>
      tpu.vector_store %arg8[%swap3A_53, %swap3A_54], %swap3A_57 {strides = array<i32>} : memref<125x80xf32, #tpu.memory_space<vmem>>, vector<1x16xf32>,
      %swap3A_58 = arith.index_cast %scan3A_47 : i32 to index
      %swap3A_59 = arith.constant 32 : index
      %swap3A_60 = tpu.vector_load %arg8[%swap3A_58, %swap3A_59] {strides = array<i32>} : memref<125x80xf32, #tpu.memory_space<vmem>>, vector<1x16xf32>,
      %swap3A_61 = vector.shape_cast %swap3A_60 : vector<1x16xf32> to vector<16xf32>
      %swap3A_62 = vector.shape_cast %broadcast_in_dim3A_1 : vector<16xf32> to vector<1x16xf32>
      tpu.vector_store %arg8[%swap3A_58, %swap3A_59], %swap3A_62 {strides = array<i32>} : memref<125x80xf32, #tpu.memory_space<vmem>>, vector<1x16xf32>,
      %swap3A_63 = arith.index_cast %scan3A_47 : i32 to index
      %swap3A_64 = arith.constant 48 : index
      %swap3A_65 = tpu.vector_load %arg8[%swap3A_63, %swap3A_64] {strides = array<i32>} : memref<125x80xf32, #tpu.memory_space<vmem>>, vector<1x16xf32>,
      %swap3A_66 = vector.shape_cast %swap3A_65 : vector<1x16xf32> to vector<16xf32>
      %swap3A_67 = vector.shape_cast %broadcast_in_dim3A_1 : vector<16xf32> to vector<1x16xf32>
      tpu.vector_store %arg8[%swap3A_63, %swap3A_64], %swap3A_67 {strides = array<i32>} : memref<125x80xf32, #tpu.memory_space<vmem>>, vector<1x16xf32>,
      %swap3A_68 = arith.index_cast %scan3A_47 : i32 to index
      %swap3A_69 = arith.constant 64 : index
      %swap3A_70 = tpu.vector_load %arg8[%swap3A_68, %swap3A_69] {strides = array<i32>} : memref<125x80xf32, #tpu.memory_space<vmem>>, vector<1x16xf32>,
      %swap3A_71 = vector.shape_cast %swap3A_70 : vector<1x16xf32> to vector<16xf32>
      %swap3A_72 = vector.shape_cast %broadcast_in_dim3A_1 : vector<16xf32> to vector<1x16xf32>
      tpu.vector_store %arg8[%swap3A_68, %swap3A_69], %swap3A_72 {strides = array<i32>} : memref<125x80xf32, #tpu.memory_space<vmem>>, vector<1x16xf32>,
      %scan3A_73 = arith.constant 0 : i32
      scf.yield %scan3A_73 : i32
    }
    %scan3A_7 = arith.constant 125 : i32
    %mul3A_8 = arith.constant 632 : i32
    %mul3A_9 = arith.muli %arg1, %mul3A_8 : i32
    %min3A = arith.constant 9368 : i32
    %min3A_10 = arith.minsi %mul3A_9, %min3A : i32
    %scan3A_11 = arith.constant 0 : i32
    %scan3A_12 = arith.constant 0 : i32
    %scan3A_13 = arith.constant 7 : i32
    %scan3A_14 = arith.addi %scan3A_12, %scan3A_13 : i32
    %scan3A_15 = arith.constant 1 : i32
    %scan3A_16 = scf.for %scan3A_47 = %scan3A_12 to %scan3A_14 step %scan3A_15 iter_args(%scan3A_48 = %scan3A_11) -> (i32)  : i32 {
      %mul3A_49 = arith.constant 96 : i32
      %mul3A_50 = arith.muli %scan3A_47, %mul3A_49 : i32
      %min3A_51 = arith.constant 536 : i32
      %min3A_52 = arith.minsi %mul3A_50, %min3A_51 : i32
      %add3A_53 = arith.addi %min3A_10, %min3A_52 : i32
      "tpu.region"() ({
        %run_scoped3A = tpu.sem_alloc : memref<!tpu.dma_semaphore, #tpu.memory_space<semaphore_mem>>
        %dma_start3A_55 = arith.constant 0 : i32
        %dma_start3A_56 = arith.constant 0 : i32
        %dma_start3A_57 = tpu.memref_slice %arg8[%dma_start3A_55, %dma_start3A_56] : memref<125x80xf32, #tpu.memory_space<vmem>> -> memref<96x80xf32, #tpu.memory_space<vmem>>
        %dma_start3A_58 = arith.constant 0 : i32
        %dma_start3A_59 = tpu.memref_slice %arg12[%add3A_53, %dma_start3A_58] : memref<10000x80xf32, #tpu.memory_space<vmem_shared>> -> memref<96x80xf32, #tpu.memory_space<vmem_shared>>
        %dma_start3A_60 = arith.constant 0 : i32
        %dma_start3A_61 = tpu.memref_slice %arg12[%add3A_53, %dma_start3A_60] : memref<10000x80xf32, #tpu.memory_space<vmem_shared>> -> memref<96x80xf32, #tpu.memory_space<vmem_shared>>
        %dma_start3A_62 = arith.constant 0 : i32
        %dma_start3A_63 = arith.constant 0 : i32
        %dma_start3A_64 = tpu.memref_slice %arg8[%dma_start3A_62, %dma_start3A_63] : memref<125x80xf32, #tpu.memory_space<vmem>> -> memref<96x80xf32, #tpu.memory_space<vmem>>
        tpu.enqueue_dma source(%dma_start3A_64 : memref<96x80xf32, #tpu.memory_space<vmem>>) target(%dma_start3A_61 : memref<96x80xf32, #tpu.memory_space<vmem_shared>>) target_semaphore(%run_scoped3A : memref<!tpu.dma_semaphore, #tpu.memory_space<semaphore_mem>>)
        %dma_wait3A_65 = arith.constant 0 : i32
        %dma_wait3A_66 = arith.constant 0 : i32
        %dma_wait3A_67 = tpu.memref_slice %arg8[%dma_wait3A_65, %dma_wait3A_66] : memref<125x80xf32, #tpu.memory_space<vmem>> -> memref<96x80xf32, #tpu.memory_space<vmem>>
        %dma_wait3A_68 = arith.constant 0 : i32
        %dma_wait3A_69 = tpu.memref_slice %arg12[%add3A_53, %dma_wait3A_68] : memref<10000x80xf32, #tpu.memory_space<vmem_shared>> -> memref<96x80xf32, #tpu.memory_space<vmem_shared>>
        %dma_wait3A_70 = arith.constant 0 : i32
        %dma_wait3A_71 = tpu.memref_slice %arg12[%add3A_53, %dma_wait3A_70] : memref<10000x80xf32, #tpu.memory_space<vmem_shared>> -> memref<96x80xf32, #tpu.memory_space<vmem_shared>>
        %dma_wait3A_72 = arith.constant 0 : i32
        %dma_wait3A_73 = arith.constant 0 : i32
        %dma_wait3A_74 = tpu.memref_slice %arg8[%dma_wait3A_72, %dma_wait3A_73] : memref<125x80xf32, #tpu.memory_space<vmem>> -> memref<96x80xf32, #tpu.memory_space<vmem>>
        tpu.wait_dma2 semaphore(%run_scoped3A : memref<!tpu.dma_semaphore, #tpu.memory_space<semaphore_mem>>) src(%dma_wait3A_74 : memref<96x80xf32, #tpu.memory_space<vmem>>) dst(%dma_wait3A_71 : memref<96x80xf32, #tpu.memory_space<vmem_shared>>)
        tpu.yield
      }) : () -> ()
      %scan3A_54 = arith.constant 0 : i32
      scf.yield %scan3A_54 : i32
    }
    %scan3A_17 = arith.constant 7 : i32
    %barrier3A = arith.constant 0 : index
    tpu.barrier barrier_id(%barrier3A)
    %mul3A_18 = arith.constant 80 : i32
    %mul3A_19 = arith.muli %add3A, %mul3A_18 : i32
    "tpu.region"() ({
      %run_scoped3A = tpu.sem_alloc : memref<!tpu.dma_semaphore, #tpu.memory_space<semaphore_mem>>
      %dma_start3A_47 = arith.constant 0 : i32
      %dma_start3A_48 = arith.constant 0 : i32
      %dma_start3A_49 = tpu.memref_slice %arg4[%mul3A_19, %dma_start3A_47, %dma_start3A_48] : memref<2560x2x125xi32, #tpu.memory_space<hbm>> -> memref<1x2x125xi32, #tpu.memory_space<hbm>>
      %dma_start3A_50 = tpu.memref_squeeze %dma_start3A_49 : memref<1x2x125xi32, #tpu.memory_space<hbm>> -> memref<2x125xi32, #tpu.memory_space<hbm>>
      %dma_start3A_51 = arith.constant 0 : i32
      %dma_start3A_52 = arith.constant 0 : i32
      %dma_start3A_53 = tpu.memref_slice %arg4[%mul3A_19, %dma_start3A_51, %dma_start3A_52] : memref<2560x2x125xi32, #tpu.memory_space<hbm>> -> memref<1x2x125xi32, #tpu.memory_space<hbm>>
      %dma_start3A_54 = tpu.memref_squeeze %dma_start3A_53 : memref<1x2x125xi32, #tpu.memory_space<hbm>> -> memref<2x125xi32, #tpu.memory_space<hbm>>
      tpu.enqueue_dma source(%dma_start3A_54 : memref<2x125xi32, #tpu.memory_space<hbm>>) target(%arg6 : memref<2x125xi32, #tpu.memory_space<vmem>>) target_semaphore(%run_scoped3A : memref<!tpu.dma_semaphore, #tpu.memory_space<semaphore_mem>>)
      %dma_wait3A_55 = arith.constant 0 : i32
      %dma_wait3A_56 = arith.constant 0 : i32
      %dma_wait3A_57 = tpu.memref_slice %arg4[%mul3A_19, %dma_wait3A_55, %dma_wait3A_56] : memref<2560x2x125xi32, #tpu.memory_space<hbm>> -> memref<1x2x125xi32, #tpu.memory_space<hbm>>
      %dma_wait3A_58 = tpu.memref_squeeze %dma_wait3A_57 : memref<1x2x125xi32, #tpu.memory_space<hbm>> -> memref<2x125xi32, #tpu.memory_space<hbm>>
      %dma_wait3A_59 = arith.constant 0 : i32
      %dma_wait3A_60 = arith.constant 0 : i32
      %dma_wait3A_61 = tpu.memref_slice %arg4[%mul3A_19, %dma_wait3A_59, %dma_wait3A_60] : memref<2560x2x125xi32, #tpu.memory_space<hbm>> -> memref<1x2x125xi32, #tpu.memory_space<hbm>>
      %dma_wait3A_62 = tpu.memref_squeeze %dma_wait3A_61 : memref<1x2x125xi32, #tpu.memory_space<hbm>> -> memref<2x125xi32, #tpu.memory_space<hbm>>
      tpu.wait_dma2 semaphore(%run_scoped3A : memref<!tpu.dma_semaphore, #tpu.memory_space<semaphore_mem>>) src(%dma_wait3A_62 : memref<2x125xi32, #tpu.memory_space<hbm>>) dst(%arg6 : memref<2x125xi32, #tpu.memory_space<vmem>>)
      tpu.yield
    }) : () -> ()
    %dma_start3A = arith.constant 0 : i32
    %dma_start3A_20 = arith.constant 0 : i32
    %dma_start3A_21 = tpu.memref_slice %arg6[%dma_start3A, %dma_start3A_20] : memref<2x125xi32, #tpu.memory_space<vmem>> -> memref<1x125xi32, #tpu.memory_space<vmem>>
    %dma_start3A_22 = tpu.memref_squeeze %dma_start3A_21 : memref<1x125xi32, #tpu.memory_space<vmem>> -> memref<125xi32, #tpu.memory_space<vmem>>
    %dma_start3A_23 = arith.constant 0 : i32
    %dma_start3A_24 = arith.constant 0 : i32
    %dma_start3A_25 = tpu.memref_slice %arg2[%dma_start3A_23, %dma_start3A_24] : memref<10000x80xf32, #tpu.memory_space<hbm>> -> memref<10000x80xf32, #tpu.memory_space<hbm>>
    tpu.enqueue_indirect_dma source(%dma_start3A_25 : memref<10000x80xf32, #tpu.memory_space<hbm>>) target(%arg8 : memref<125x80xf32, #tpu.memory_space<vmem>>) offsets(%dma_start3A_22 : memref<125xi32, #tpu.memory_space<vmem>>) semaphore(%arg13 : memref<!tpu.dma_semaphore, #tpu.memory_space<semaphore_mem>>)
    %dma_start3A_26 = arith.constant 1 : i32
    %dma_start3A_27 = arith.constant 0 : i32
    %dma_start3A_28 = tpu.memref_slice %arg6[%dma_start3A_26, %dma_start3A_27] : memref<2x125xi32, #tpu.memory_space<vmem>> -> memref<1x125xi32, #tpu.memory_space<vmem>>
    %dma_start3A_29 = tpu.memref_squeeze %dma_start3A_28 : memref<1x125xi32, #tpu.memory_space<vmem>> -> memref<125xi32, #tpu.memory_space<vmem>>
    %dma_start3A_30 = arith.constant 0 : i32
    %dma_start3A_31 = arith.constant 0 : i32
    %dma_start3A_32 = tpu.memref_slice %arg3[%dma_start3A_30, %dma_start3A_31] : memref<10000x16xf32, #tpu.memory_space<hbm>> -> memref<10000x16xf32, #tpu.memory_space<hbm>>
    tpu.enqueue_indirect_dma source(%dma_start3A_32 : memref<10000x16xf32, #tpu.memory_space<hbm>>) target(%arg10 : memref<125x16xf32, #tpu.memory_space<vmem>>) offsets(%dma_start3A_29 : memref<125xi32, #tpu.memory_space<vmem>>) semaphore(%arg13 : memref<!tpu.dma_semaphore, #tpu.memory_space<semaphore_mem>>)
    %scan3A_33 = arith.constant 0 : i32
    %scan3A_34 = arith.constant 0 : i32
    %scan3A_35 = arith.constant 80 : i32
    %scan3A_36 = arith.addi %scan3A_34, %scan3A_35 : i32
    %scan3A_37 = arith.constant 1 : i32
    %scan3A_38 = scf.for %scan3A_47 = %scan3A_34 to %scan3A_36 step %scan3A_37 iter_args(%scan3A_48 = %scan3A_33) -> (i32)  : i32 {
      %and3A = arith.constant 1 : i32
      %and3A_49 = arith.andi %scan3A_47, %and3A : i32
      %eq3A = arith.constant 0 : i32
      %eq3A_50 = arith.cmpi eq, %and3A_49, %eq3A : i32
      %convert_element_type3A = arith.extui %eq3A_50 : i1 to i32
      %cond3A = arith.constant 0 : i32
      %cond3A_51 = arith.cmpi ne, %convert_element_type3A, %cond3A : i32
      scf.if %cond3A_51 {
        %ge3A = arith.constant 1 : i32
        %ge3A_60 = arith.cmpi sge, %scan3A_47, %ge3A : i32
        %convert_element_type3A_61 = arith.extui %ge3A_60 : i1 to i32
        %cond3A_62 = arith.constant 0 : i32
        %cond3A_63 = arith.cmpi ne, %convert_element_type3A_61, %cond3A_62 : i32
        scf.if %cond3A_63 {
          %dma_wait3A_98 = arith.constant 1 : i32
          %dma_wait3A_99 = arith.constant 0 : i32
          %dma_wait3A_100 = tpu.memref_slice %arg7[%dma_wait3A_98, %dma_wait3A_99] : memref<2x125xi32, #tpu.memory_space<vmem>> -> memref<1x125xi32, #tpu.memory_space<vmem>>
          %dma_wait3A_101 = tpu.memref_squeeze %dma_wait3A_100 : memref<1x125xi32, #tpu.memory_space<vmem>> -> memref<125xi32, #tpu.memory_space<vmem>>
          %dma_wait3A_102 = arith.constant 0 : i32
          %dma_wait3A_103 = arith.constant 0 : i32
          %dma_wait3A_104 = tpu.memref_slice %arg12[%dma_wait3A_102, %dma_wait3A_103] : memref<10000x80xf32, #tpu.memory_space<vmem_shared>> -> memref<10000x80xf32, #tpu.memory_space<vmem_shared>>
          tpu.wait_indirect_dma semaphore(%arg16 : memref<!tpu.dma_semaphore, #tpu.memory_space<semaphore_mem>>) src(%arg9 : memref<125x80xf32, #tpu.memory_space<vmem>>) dst(%dma_wait3A_104 : memref<10000x80xf32, #tpu.memory_space<vmem_shared>>)
        } else {
        }
        %add3A_64 = arith.constant 1 : i32
        %add3A_65 = arith.addi %scan3A_47, %add3A_64 : i32
        %lt3A = arith.constant 80 : i32
        %lt3A_66 = arith.cmpi slt, %add3A_65, %lt3A : i32
        %convert_element_type3A_67 = arith.extui %lt3A_66 : i1 to i32
        %cond3A_68 = arith.constant 0 : i32
        %cond3A_69 = arith.cmpi ne, %convert_element_type3A_67, %cond3A_68 : i32
        scf.if %cond3A_69 {
          %add3A_98 = arith.addi %mul3A_19, %scan3A_47 : i32
          %add3A_99 = arith.constant 1 : i32
          %add3A_100 = arith.addi %add3A_98, %add3A_99 : i32
          "tpu.region"() ({
            %run_scoped3A = tpu.sem_alloc : memref<!tpu.dma_semaphore, #tpu.memory_space<semaphore_mem>>
            %dma_start3A_115 = arith.constant 0 : i32
            %dma_start3A_116 = arith.constant 0 : i32
            %dma_start3A_117 = tpu.memref_slice %arg4[%add3A_100, %dma_start3A_115, %dma_start3A_116] : memref<2560x2x125xi32, #tpu.memory_space<hbm>> -> memref<1x2x125xi32, #tpu.memory_space<hbm>>
            %dma_start3A_118 = tpu.memref_squeeze %dma_start3A_117 : memref<1x2x125xi32, #tpu.memory_space<hbm>> -> memref<2x125xi32, #tpu.memory_space<hbm>>
            %dma_start3A_119 = arith.constant 0 : i32
            %dma_start3A_120 = arith.constant 0 : i32
            %dma_start3A_121 = tpu.memref_slice %arg4[%add3A_100, %dma_start3A_119, %dma_start3A_120] : memref<2560x2x125xi32, #tpu.memory_space<hbm>> -> memref<1x2x125xi32, #tpu.memory_space<hbm>>
            %dma_start3A_122 = tpu.memref_squeeze %dma_start3A_121 : memref<1x2x125xi32, #tpu.memory_space<hbm>> -> memref<2x125xi32, #tpu.memory_space<hbm>>
            tpu.enqueue_dma source(%dma_start3A_122 : memref<2x125xi32, #tpu.memory_space<hbm>>) target(%arg7 : memref<2x125xi32, #tpu.memory_space<vmem>>) target_semaphore(%run_scoped3A : memref<!tpu.dma_semaphore, #tpu.memory_space<semaphore_mem>>)
            %dma_wait3A_123 = arith.constant 0 : i32
            %dma_wait3A_124 = arith.constant 0 : i32
            %dma_wait3A_125 = tpu.memref_slice %arg4[%add3A_100, %dma_wait3A_123, %dma_wait3A_124] : memref<2560x2x125xi32, #tpu.memory_space<hbm>> -> memref<1x2x125xi32, #tpu.memory_space<hbm>>
            %dma_wait3A_126 = tpu.memref_squeeze %dma_wait3A_125 : memref<1x2x125xi32, #tpu.memory_space<hbm>> -> memref<2x125xi32, #tpu.memory_space<hbm>>
            %dma_wait3A_127 = arith.constant 0 : i32
            %dma_wait3A_128 = arith.constant 0 : i32
            %dma_wait3A_129 = tpu.memref_slice %arg4[%add3A_100, %dma_wait3A_127, %dma_wait3A_128] : memref<2560x2x125xi32, #tpu.memory_space<hbm>> -> memref<1x2x125xi32, #tpu.memory_space<hbm>>
            %dma_wait3A_130 = tpu.memref_squeeze %dma_wait3A_129 : memref<1x2x125xi32, #tpu.memory_space<hbm>> -> memref<2x125xi32, #tpu.memory_space<hbm>>
            tpu.wait_dma2 semaphore(%run_scoped3A : memref<!tpu.dma_semaphore, #tpu.memory_space<semaphore_mem>>) src(%dma_wait3A_130 : memref<2x125xi32, #tpu.memory_space<hbm>>) dst(%arg7 : memref<2x125xi32, #tpu.memory_space<vmem>>)
            tpu.yield
          }) : () -> ()
          %dma_start3A_101 = arith.constant 0 : i32
          %dma_start3A_102 = arith.constant 0 : i32
          %dma_start3A_103 = tpu.memref_slice %arg7[%dma_start3A_101, %dma_start3A_102] : memref<2x125xi32, #tpu.memory_space<vmem>> -> memref<1x125xi32, #tpu.memory_space<vmem>>
          %dma_start3A_104 = tpu.memref_squeeze %dma_start3A_103 : memref<1x125xi32, #tpu.memory_space<vmem>> -> memref<125xi32, #tpu.memory_space<vmem>>
          %dma_start3A_105 = arith.constant 0 : i32
          %dma_start3A_106 = arith.constant 0 : i32
          %dma_start3A_107 = tpu.memref_slice %arg2[%dma_start3A_105, %dma_start3A_106] : memref<10000x80xf32, #tpu.memory_space<hbm>> -> memref<10000x80xf32, #tpu.memory_space<hbm>>
          tpu.enqueue_indirect_dma source(%dma_start3A_107 : memref<10000x80xf32, #tpu.memory_space<hbm>>) target(%arg9 : memref<125x80xf32, #tpu.memory_space<vmem>>) offsets(%dma_start3A_104 : memref<125xi32, #tpu.memory_space<vmem>>) semaphore(%arg14 : memref<!tpu.dma_semaphore, #tpu.memory_space<semaphore_mem>>)
          %dma_start3A_108 = arith.constant 1 : i32
          %dma_start3A_109 = arith.constant 0 : i32
          %dma_start3A_110 = tpu.memref_slice %arg7[%dma_start3A_108, %dma_start3A_109] : memref<2x125xi32, #tpu.memory_space<vmem>> -> memref<1x125xi32, #tpu.memory_space<vmem>>
          %dma_start3A_111 = tpu.memref_squeeze %dma_start3A_110 : memref<1x125xi32, #tpu.memory_space<vmem>> -> memref<125xi32, #tpu.memory_space<vmem>>
          %dma_start3A_112 = arith.constant 0 : i32
          %dma_start3A_113 = arith.constant 0 : i32
          %dma_start3A_114 = tpu.memref_slice %arg3[%dma_start3A_112, %dma_start3A_113] : memref<10000x16xf32, #tpu.memory_space<hbm>> -> memref<10000x16xf32, #tpu.memory_space<hbm>>
          tpu.enqueue_indirect_dma source(%dma_start3A_114 : memref<10000x16xf32, #tpu.memory_space<hbm>>) target(%arg11 : memref<125x16xf32, #tpu.memory_space<vmem>>) offsets(%dma_start3A_111 : memref<125xi32, #tpu.memory_space<vmem>>) semaphore(%arg14 : memref<!tpu.dma_semaphore, #tpu.memory_space<semaphore_mem>>)
        } else {
        }
        %dma_wait3A_70 = arith.constant 0 : i32
        %dma_wait3A_71 = arith.constant 0 : i32
        %dma_wait3A_72 = tpu.memref_slice %arg6[%dma_wait3A_70, %dma_wait3A_71] : memref<2x125xi32, #tpu.memory_space<vmem>> -> memref<1x125xi32, #tpu.memory_space<vmem>>
        %dma_wait3A_73 = tpu.memref_squeeze %dma_wait3A_72 : memref<1x125xi32, #tpu.memory_space<vmem>> -> memref<125xi32, #tpu.memory_space<vmem>>
        %dma_wait3A_74 = arith.constant 0 : i32
        %dma_wait3A_75 = arith.constant 0 : i32
        %dma_wait3A_76 = tpu.memref_slice %arg2[%dma_wait3A_74, %dma_wait3A_75] : memref<10000x80xf32, #tpu.memory_space<hbm>> -> memref<10000x80xf32, #tpu.memory_space<hbm>>
        tpu.wait_indirect_dma semaphore(%arg13 : memref<!tpu.dma_semaphore, #tpu.memory_space<semaphore_mem>>) src(%dma_wait3A_76 : memref<10000x80xf32, #tpu.memory_space<hbm>>) dst(%arg8 : memref<125x80xf32, #tpu.memory_space<vmem>>)
        %dma_wait3A_77 = arith.constant 1 : i32
        %dma_wait3A_78 = arith.constant 0 : i32
        %dma_wait3A_79 = tpu.memref_slice %arg6[%dma_wait3A_77, %dma_wait3A_78] : memref<2x125xi32, #tpu.memory_space<vmem>> -> memref<1x125xi32, #tpu.memory_space<vmem>>
        %dma_wait3A_80 = tpu.memref_squeeze %dma_wait3A_79 : memref<1x125xi32, #tpu.memory_space<vmem>> -> memref<125xi32, #tpu.memory_space<vmem>>
        %dma_wait3A_81 = arith.constant 0 : i32
        %dma_wait3A_82 = arith.constant 0 : i32
        %dma_wait3A_83 = tpu.memref_slice %arg3[%dma_wait3A_81, %dma_wait3A_82] : memref<10000x16xf32, #tpu.memory_space<hbm>> -> memref<10000x16xf32, #tpu.memory_space<hbm>>
        tpu.wait_indirect_dma semaphore(%arg13 : memref<!tpu.dma_semaphore, #tpu.memory_space<semaphore_mem>>) src(%dma_wait3A_83 : memref<10000x16xf32, #tpu.memory_space<hbm>>) dst(%arg10 : memref<125x16xf32, #tpu.memory_space<vmem>>)
        %scan3A_84 = arith.constant 0 : i32
        %scan3A_85 = arith.constant 0 : i32
        %scan3A_86 = arith.constant 125 : i32
        %scan3A_87 = arith.addi %scan3A_85, %scan3A_86 : i32
        %scan3A_88 = arith.constant 1 : i32
        %scan3A_89 = scf.for %scan3A_98 = %scan3A_85 to %scan3A_87 step %scan3A_88 iter_args(%scan3A_99 = %scan3A_84) -> (i32)  : i32 {
          %get3A = arith.index_cast %scan3A_98 : i32 to index
          %get3A_100 = arith.constant 64 : index
          %get3A_101 = tpu.vector_load %arg8[%get3A, %get3A_100] {strides = array<i32>} : memref<125x80xf32, #tpu.memory_space<vmem>>, vector<1x16xf32>,
          %get3A_102 = vector.shape_cast %get3A_101 : vector<1x16xf32> to vector<16xf32>
          %get3A_103 = arith.index_cast %scan3A_98 : i32 to index
          %get3A_104 = arith.constant 0 : index
          %get3A_105 = tpu.vector_load %arg10[%get3A_103, %get3A_104] {strides = array<i32>} : memref<125x16xf32, #tpu.memory_space<vmem>>, vector<1x16xf32>,
          %get3A_106 = vector.shape_cast %get3A_105 : vector<1x16xf32> to vector<16xf32>
          %add3A_107 = arith.addf %get3A_102, %get3A_106 : vector<16xf32>
          %mul3A_108 = arith.constant 2.000000e-01 : f32
          %mul3A_109 = vector.broadcast %mul3A_108 : f32 to vector<16xf32>
          %mul3A_110 = arith.mulf %mul3A_109, %add3A_107 : vector<16xf32>
          %max3A = arith.maximumf %add3A_107, %mul3A_110 : vector<16xf32>
          %exp3A = math.exp %max3A : vector<16xf32>
          %get3A_111 = arith.index_cast %scan3A_98 : i32 to index
          %get3A_112 = arith.constant 0 : index
          %get3A_113 = tpu.vector_load %arg8[%get3A_111, %get3A_112] {strides = array<i32>} : memref<125x80xf32, #tpu.memory_space<vmem>>, vector<1x16xf32>,
          %get3A_114 = vector.shape_cast %get3A_113 : vector<1x16xf32> to vector<16xf32>
          %mul3A_115 = arith.mulf %get3A_114, %exp3A : vector<16xf32>
          %swap3A = arith.index_cast %scan3A_98 : i32 to index
          %swap3A_116 = arith.constant 0 : index
          %swap3A_117 = tpu.vector_load %arg8[%swap3A, %swap3A_116] {strides = array<i32>} : memref<125x80xf32, #tpu.memory_space<vmem>>, vector<1x16xf32>,
          %swap3A_118 = vector.shape_cast %swap3A_117 : vector<1x16xf32> to vector<16xf32>
          %swap3A_119 = vector.shape_cast %mul3A_115 : vector<16xf32> to vector<1x16xf32>
          tpu.vector_store %arg8[%swap3A, %swap3A_116], %swap3A_119 {strides = array<i32>} : memref<125x80xf32, #tpu.memory_space<vmem>>, vector<1x16xf32>,
          %get3A_120 = arith.index_cast %scan3A_98 : i32 to index
          %get3A_121 = arith.constant 16 : index
          %get3A_122 = tpu.vector_load %arg8[%get3A_120, %get3A_121] {strides = array<i32>} : memref<125x80xf32, #tpu.memory_space<vmem>>, vector<1x16xf32>,
          %get3A_123 = vector.shape_cast %get3A_122 : vector<1x16xf32> to vector<16xf32>
          %mul3A_124 = arith.mulf %get3A_123, %exp3A : vector<16xf32>
          %swap3A_125 = arith.index_cast %scan3A_98 : i32 to index
          %swap3A_126 = arith.constant 16 : index
          %swap3A_127 = tpu.vector_load %arg8[%swap3A_125, %swap3A_126] {strides = array<i32>} : memref<125x80xf32, #tpu.memory_space<vmem>>, vector<1x16xf32>,
          %swap3A_128 = vector.shape_cast %swap3A_127 : vector<1x16xf32> to vector<16xf32>
          %swap3A_129 = vector.shape_cast %mul3A_124 : vector<16xf32> to vector<1x16xf32>
          tpu.vector_store %arg8[%swap3A_125, %swap3A_126], %swap3A_129 {strides = array<i32>} : memref<125x80xf32, #tpu.memory_space<vmem>>, vector<1x16xf32>,
          %get3A_130 = arith.index_cast %scan3A_98 : i32 to index
          %get3A_131 = arith.constant 32 : index
          %get3A_132 = tpu.vector_load %arg8[%get3A_130, %get3A_131] {strides = array<i32>} : memref<125x80xf32, #tpu.memory_space<vmem>>, vector<1x16xf32>,
          %get3A_133 = vector.shape_cast %get3A_132 : vector<1x16xf32> to vector<16xf32>
          %mul3A_134 = arith.mulf %get3A_133, %exp3A : vector<16xf32>
          %swap3A_135 = arith.index_cast %scan3A_98 : i32 to index
          %swap3A_136 = arith.constant 32 : index
          %swap3A_137 = tpu.vector_load %arg8[%swap3A_135, %swap3A_136] {strides = array<i32>} : memref<125x80xf32, #tpu.memory_space<vmem>>, vector<1x16xf32>,
          %swap3A_138 = vector.shape_cast %swap3A_137 : vector<1x16xf32> to vector<16xf32>
          %swap3A_139 = vector.shape_cast %mul3A_134 : vector<16xf32> to vector<1x16xf32>
          tpu.vector_store %arg8[%swap3A_135, %swap3A_136], %swap3A_139 {strides = array<i32>} : memref<125x80xf32, #tpu.memory_space<vmem>>, vector<1x16xf32>,
          %get3A_140 = arith.index_cast %scan3A_98 : i32 to index
          %get3A_141 = arith.constant 48 : index
          %get3A_142 = tpu.vector_load %arg8[%get3A_140, %get3A_141] {strides = array<i32>} : memref<125x80xf32, #tpu.memory_space<vmem>>, vector<1x16xf32>,
          %get3A_143 = vector.shape_cast %get3A_142 : vector<1x16xf32> to vector<16xf32>
          %mul3A_144 = arith.mulf %get3A_143, %exp3A : vector<16xf32>
          %swap3A_145 = arith.index_cast %scan3A_98 : i32 to index
          %swap3A_146 = arith.constant 48 : index
          %swap3A_147 = tpu.vector_load %arg8[%swap3A_145, %swap3A_146] {strides = array<i32>} : memref<125x80xf32, #tpu.memory_space<vmem>>, vector<1x16xf32>,
          %swap3A_148 = vector.shape_cast %swap3A_147 : vector<1x16xf32> to vector<16xf32>
          %swap3A_149 = vector.shape_cast %mul3A_144 : vector<16xf32> to vector<1x16xf32>
          tpu.vector_store %arg8[%swap3A_145, %swap3A_146], %swap3A_149 {strides = array<i32>} : memref<125x80xf32, #tpu.memory_space<vmem>>, vector<1x16xf32>,
          %swap3A_150 = arith.index_cast %scan3A_98 : i32 to index
          %swap3A_151 = arith.constant 64 : index
          %swap3A_152 = tpu.vector_load %arg8[%swap3A_150, %swap3A_151] {strides = array<i32>} : memref<125x80xf32, #tpu.memory_space<vmem>>, vector<1x16xf32>,
          %swap3A_153 = vector.shape_cast %swap3A_152 : vector<1x16xf32> to vector<16xf32>
          %swap3A_154 = vector.shape_cast %exp3A : vector<16xf32> to vector<1x16xf32>
          tpu.vector_store %arg8[%swap3A_150, %swap3A_151], %swap3A_154 {strides = array<i32>} : memref<125x80xf32, #tpu.memory_space<vmem>>, vector<1x16xf32>,
          %scan3A_155 = arith.constant 0 : i32
          scf.yield %scan3A_155 : i32
        }
        %scan3A_90 = arith.constant 125 : i32
        %dma_start3A_91 = arith.constant 1 : i32
        %dma_start3A_92 = arith.constant 0 : i32
        %dma_start3A_93 = tpu.memref_slice %arg6[%dma_start3A_91, %dma_start3A_92] : memref<2x125xi32, #tpu.memory_space<vmem>> -> memref<1x125xi32, #tpu.memory_space<vmem>>
        %dma_start3A_94 = tpu.memref_squeeze %dma_start3A_93 : memref<1x125xi32, #tpu.memory_space<vmem>> -> memref<125xi32, #tpu.memory_space<vmem>>
        %dma_start3A_95 = arith.constant 0 : i32
        %dma_start3A_96 = arith.constant 0 : i32
        %dma_start3A_97 = tpu.memref_slice %arg12[%dma_start3A_95, %dma_start3A_96] : memref<10000x80xf32, #tpu.memory_space<vmem_shared>> -> memref<10000x80xf32, #tpu.memory_space<vmem_shared>>
        tpu.enqueue_indirect_dma source(%arg8 : memref<125x80xf32, #tpu.memory_space<vmem>>) target(%dma_start3A_97 : memref<10000x80xf32, #tpu.memory_space<vmem_shared>>) offsets(%dma_start3A_94 : memref<125xi32, #tpu.memory_space<vmem>>) semaphore(%arg15 : memref<!tpu.dma_semaphore, #tpu.memory_space<semaphore_mem>>) {add = true}
      } else {
      }
      %and3A_52 = arith.constant 1 : i32
      %and3A_53 = arith.andi %scan3A_47, %and3A_52 : i32
      %eq3A_54 = arith.constant 1 : i32
      %eq3A_55 = arith.cmpi eq, %and3A_53, %eq3A_54 : i32
      %convert_element_type3A_56 = arith.extui %eq3A_55 : i1 to i32
      %cond3A_57 = arith.constant 0 : i32
      %cond3A_58 = arith.cmpi ne, %convert_element_type3A_56, %cond3A_57 : i32
      scf.if %cond3A_58 {
        %ge3A = arith.constant 1 : i32
        %ge3A_60 = arith.cmpi sge, %scan3A_47, %ge3A : i32
        %convert_element_type3A_61 = arith.extui %ge3A_60 : i1 to i32
        %cond3A_62 = arith.constant 0 : i32
        %cond3A_63 = arith.cmpi ne, %convert_element_type3A_61, %cond3A_62 : i32
        scf.if %cond3A_63 {
          %dma_wait3A_98 = arith.constant 1 : i32
          %dma_wait3A_99 = arith.constant 0 : i32
          %dma_wait3A_100 = tpu.memref_slice %arg6[%dma_wait3A_98, %dma_wait3A_99] : memref<2x125xi32, #tpu.memory_space<vmem>> -> memref<1x125xi32, #tpu.memory_space<vmem>>
          %dma_wait3A_101 = tpu.memref_squeeze %dma_wait3A_100 : memref<1x125xi32, #tpu.memory_space<vmem>> -> memref<125xi32, #tpu.memory_space<vmem>>
          %dma_wait3A_102 = arith.constant 0 : i32
          %dma_wait3A_103 = arith.constant 0 : i32
          %dma_wait3A_104 = tpu.memref_slice %arg12[%dma_wait3A_102, %dma_wait3A_103] : memref<10000x80xf32, #tpu.memory_space<vmem_shared>> -> memref<10000x80xf32, #tpu.memory_space<vmem_shared>>
          tpu.wait_indirect_dma semaphore(%arg15 : memref<!tpu.dma_semaphore, #tpu.memory_space<semaphore_mem>>) src(%arg8 : memref<125x80xf32, #tpu.memory_space<vmem>>) dst(%dma_wait3A_104 : memref<10000x80xf32, #tpu.memory_space<vmem_shared>>)
        } else {
        }
        %add3A_64 = arith.constant 1 : i32
        %add3A_65 = arith.addi %scan3A_47, %add3A_64 : i32
        %lt3A = arith.constant 80 : i32
        %lt3A_66 = arith.cmpi slt, %add3A_65, %lt3A : i32
        %convert_element_type3A_67 = arith.extui %lt3A_66 : i1 to i32
        %cond3A_68 = arith.constant 0 : i32
        %cond3A_69 = arith.cmpi ne, %convert_element_type3A_67, %cond3A_68 : i32
        scf.if %cond3A_69 {
          %add3A_98 = arith.addi %mul3A_19, %scan3A_47 : i32
          %add3A_99 = arith.constant 1 : i32
          %add3A_100 = arith.addi %add3A_98, %add3A_99 : i32
          "tpu.region"() ({
            %run_scoped3A = tpu.sem_alloc : memref<!tpu.dma_semaphore, #tpu.memory_space<semaphore_mem>>
            %dma_start3A_115 = arith.constant 0 : i32
            %dma_start3A_116 = arith.constant 0 : i32
            %dma_start3A_117 = tpu.memref_slice %arg4[%add3A_100, %dma_start3A_115, %dma_start3A_116] : memref<2560x2x125xi32, #tpu.memory_space<hbm>> -> memref<1x2x125xi32, #tpu.memory_space<hbm>>
            %dma_start3A_118 = tpu.memref_squeeze %dma_start3A_117 : memref<1x2x125xi32, #tpu.memory_space<hbm>> -> memref<2x125xi32, #tpu.memory_space<hbm>>
            %dma_start3A_119 = arith.constant 0 : i32
            %dma_start3A_120 = arith.constant 0 : i32
            %dma_start3A_121 = tpu.memref_slice %arg4[%add3A_100, %dma_start3A_119, %dma_start3A_120] : memref<2560x2x125xi32, #tpu.memory_space<hbm>> -> memref<1x2x125xi32, #tpu.memory_space<hbm>>
            %dma_start3A_122 = tpu.memref_squeeze %dma_start3A_121 : memref<1x2x125xi32, #tpu.memory_space<hbm>> -> memref<2x125xi32, #tpu.memory_space<hbm>>
            tpu.enqueue_dma source(%dma_start3A_122 : memref<2x125xi32, #tpu.memory_space<hbm>>) target(%arg6 : memref<2x125xi32, #tpu.memory_space<vmem>>) target_semaphore(%run_scoped3A : memref<!tpu.dma_semaphore, #tpu.memory_space<semaphore_mem>>)
            %dma_wait3A_123 = arith.constant 0 : i32
            %dma_wait3A_124 = arith.constant 0 : i32
            %dma_wait3A_125 = tpu.memref_slice %arg4[%add3A_100, %dma_wait3A_123, %dma_wait3A_124] : memref<2560x2x125xi32, #tpu.memory_space<hbm>> -> memref<1x2x125xi32, #tpu.memory_space<hbm>>
            %dma_wait3A_126 = tpu.memref_squeeze %dma_wait3A_125 : memref<1x2x125xi32, #tpu.memory_space<hbm>> -> memref<2x125xi32, #tpu.memory_space<hbm>>
            %dma_wait3A_127 = arith.constant 0 : i32
            %dma_wait3A_128 = arith.constant 0 : i32
            %dma_wait3A_129 = tpu.memref_slice %arg4[%add3A_100, %dma_wait3A_127, %dma_wait3A_128] : memref<2560x2x125xi32, #tpu.memory_space<hbm>> -> memref<1x2x125xi32, #tpu.memory_space<hbm>>
            %dma_wait3A_130 = tpu.memref_squeeze %dma_wait3A_129 : memref<1x2x125xi32, #tpu.memory_space<hbm>> -> memref<2x125xi32, #tpu.memory_space<hbm>>
            tpu.wait_dma2 semaphore(%run_scoped3A : memref<!tpu.dma_semaphore, #tpu.memory_space<semaphore_mem>>) src(%dma_wait3A_130 : memref<2x125xi32, #tpu.memory_space<hbm>>) dst(%arg6 : memref<2x125xi32, #tpu.memory_space<vmem>>)
            tpu.yield
          }) : () -> ()
          %dma_start3A_101 = arith.constant 0 : i32
          %dma_start3A_102 = arith.constant 0 : i32
          %dma_start3A_103 = tpu.memref_slice %arg6[%dma_start3A_101, %dma_start3A_102] : memref<2x125xi32, #tpu.memory_space<vmem>> -> memref<1x125xi32, #tpu.memory_space<vmem>>
          %dma_start3A_104 = tpu.memref_squeeze %dma_start3A_103 : memref<1x125xi32, #tpu.memory_space<vmem>> -> memref<125xi32, #tpu.memory_space<vmem>>
          %dma_start3A_105 = arith.constant 0 : i32
          %dma_start3A_106 = arith.constant 0 : i32
          %dma_start3A_107 = tpu.memref_slice %arg2[%dma_start3A_105, %dma_start3A_106] : memref<10000x80xf32, #tpu.memory_space<hbm>> -> memref<10000x80xf32, #tpu.memory_space<hbm>>
          tpu.enqueue_indirect_dma source(%dma_start3A_107 : memref<10000x80xf32, #tpu.memory_space<hbm>>) target(%arg8 : memref<125x80xf32, #tpu.memory_space<vmem>>) offsets(%dma_start3A_104 : memref<125xi32, #tpu.memory_space<vmem>>) semaphore(%arg13 : memref<!tpu.dma_semaphore, #tpu.memory_space<semaphore_mem>>)
          %dma_start3A_108 = arith.constant 1 : i32
          %dma_start3A_109 = arith.constant 0 : i32
          %dma_start3A_110 = tpu.memref_slice %arg6[%dma_start3A_108, %dma_start3A_109] : memref<2x125xi32, #tpu.memory_space<vmem>> -> memref<1x125xi32, #tpu.memory_space<vmem>>
          %dma_start3A_111 = tpu.memref_squeeze %dma_start3A_110 : memref<1x125xi32, #tpu.memory_space<vmem>> -> memref<125xi32, #tpu.memory_space<vmem>>
          %dma_start3A_112 = arith.constant 0 : i32
          %dma_start3A_113 = arith.constant 0 : i32
          %dma_start3A_114 = tpu.memref_slice %arg3[%dma_start3A_112, %dma_start3A_113] : memref<10000x16xf32, #tpu.memory_space<hbm>> -> memref<10000x16xf32, #tpu.memory_space<hbm>>
          tpu.enqueue_indirect_dma source(%dma_start3A_114 : memref<10000x16xf32, #tpu.memory_space<hbm>>) target(%arg10 : memref<125x16xf32, #tpu.memory_space<vmem>>) offsets(%dma_start3A_111 : memref<125xi32, #tpu.memory_space<vmem>>) semaphore(%arg13 : memref<!tpu.dma_semaphore, #tpu.memory_space<semaphore_mem>>)
        } else {
        }
        %dma_wait3A_70 = arith.constant 0 : i32
        %dma_wait3A_71 = arith.constant 0 : i32
        %dma_wait3A_72 = tpu.memref_slice %arg7[%dma_wait3A_70, %dma_wait3A_71] : memref<2x125xi32, #tpu.memory_space<vmem>> -> memref<1x125xi32, #tpu.memory_space<vmem>>
        %dma_wait3A_73 = tpu.memref_squeeze %dma_wait3A_72 : memref<1x125xi32, #tpu.memory_space<vmem>> -> memref<125xi32, #tpu.memory_space<vmem>>
        %dma_wait3A_74 = arith.constant 0 : i32
        %dma_wait3A_75 = arith.constant 0 : i32
        %dma_wait3A_76 = tpu.memref_slice %arg2[%dma_wait3A_74, %dma_wait3A_75] : memref<10000x80xf32, #tpu.memory_space<hbm>> -> memref<10000x80xf32, #tpu.memory_space<hbm>>
        tpu.wait_indirect_dma semaphore(%arg14 : memref<!tpu.dma_semaphore, #tpu.memory_space<semaphore_mem>>) src(%dma_wait3A_76 : memref<10000x80xf32, #tpu.memory_space<hbm>>) dst(%arg9 : memref<125x80xf32, #tpu.memory_space<vmem>>)
        %dma_wait3A_77 = arith.constant 1 : i32
        %dma_wait3A_78 = arith.constant 0 : i32
        %dma_wait3A_79 = tpu.memref_slice %arg7[%dma_wait3A_77, %dma_wait3A_78] : memref<2x125xi32, #tpu.memory_space<vmem>> -> memref<1x125xi32, #tpu.memory_space<vmem>>
        %dma_wait3A_80 = tpu.memref_squeeze %dma_wait3A_79 : memref<1x125xi32, #tpu.memory_space<vmem>> -> memref<125xi32, #tpu.memory_space<vmem>>
        %dma_wait3A_81 = arith.constant 0 : i32
        %dma_wait3A_82 = arith.constant 0 : i32
        %dma_wait3A_83 = tpu.memref_slice %arg3[%dma_wait3A_81, %dma_wait3A_82] : memref<10000x16xf32, #tpu.memory_space<hbm>> -> memref<10000x16xf32, #tpu.memory_space<hbm>>
        tpu.wait_indirect_dma semaphore(%arg14 : memref<!tpu.dma_semaphore, #tpu.memory_space<semaphore_mem>>) src(%dma_wait3A_83 : memref<10000x16xf32, #tpu.memory_space<hbm>>) dst(%arg11 : memref<125x16xf32, #tpu.memory_space<vmem>>)
        %scan3A_84 = arith.constant 0 : i32
        %scan3A_85 = arith.constant 0 : i32
        %scan3A_86 = arith.constant 125 : i32
        %scan3A_87 = arith.addi %scan3A_85, %scan3A_86 : i32
        %scan3A_88 = arith.constant 1 : i32
        %scan3A_89 = scf.for %scan3A_98 = %scan3A_85 to %scan3A_87 step %scan3A_88 iter_args(%scan3A_99 = %scan3A_84) -> (i32)  : i32 {
          %get3A = arith.index_cast %scan3A_98 : i32 to index
          %get3A_100 = arith.constant 64 : index
          %get3A_101 = tpu.vector_load %arg9[%get3A, %get3A_100] {strides = array<i32>} : memref<125x80xf32, #tpu.memory_space<vmem>>, vector<1x16xf32>,
          %get3A_102 = vector.shape_cast %get3A_101 : vector<1x16xf32> to vector<16xf32>
          %get3A_103 = arith.index_cast %scan3A_98 : i32 to index
          %get3A_104 = arith.constant 0 : index
          %get3A_105 = tpu.vector_load %arg11[%get3A_103, %get3A_104] {strides = array<i32>} : memref<125x16xf32, #tpu.memory_space<vmem>>, vector<1x16xf32>,
          %get3A_106 = vector.shape_cast %get3A_105 : vector<1x16xf32> to vector<16xf32>
          %add3A_107 = arith.addf %get3A_102, %get3A_106 : vector<16xf32>
          %mul3A_108 = arith.constant 2.000000e-01 : f32
          %mul3A_109 = vector.broadcast %mul3A_108 : f32 to vector<16xf32>
          %mul3A_110 = arith.mulf %mul3A_109, %add3A_107 : vector<16xf32>
          %max3A = arith.maximumf %add3A_107, %mul3A_110 : vector<16xf32>
          %exp3A = math.exp %max3A : vector<16xf32>
          %get3A_111 = arith.index_cast %scan3A_98 : i32 to index
          %get3A_112 = arith.constant 0 : index
          %get3A_113 = tpu.vector_load %arg9[%get3A_111, %get3A_112] {strides = array<i32>} : memref<125x80xf32, #tpu.memory_space<vmem>>, vector<1x16xf32>,
          %get3A_114 = vector.shape_cast %get3A_113 : vector<1x16xf32> to vector<16xf32>
          %mul3A_115 = arith.mulf %get3A_114, %exp3A : vector<16xf32>
          %swap3A = arith.index_cast %scan3A_98 : i32 to index
          %swap3A_116 = arith.constant 0 : index
          %swap3A_117 = tpu.vector_load %arg9[%swap3A, %swap3A_116] {strides = array<i32>} : memref<125x80xf32, #tpu.memory_space<vmem>>, vector<1x16xf32>,
          %swap3A_118 = vector.shape_cast %swap3A_117 : vector<1x16xf32> to vector<16xf32>
          %swap3A_119 = vector.shape_cast %mul3A_115 : vector<16xf32> to vector<1x16xf32>
          tpu.vector_store %arg9[%swap3A, %swap3A_116], %swap3A_119 {strides = array<i32>} : memref<125x80xf32, #tpu.memory_space<vmem>>, vector<1x16xf32>,
          %get3A_120 = arith.index_cast %scan3A_98 : i32 to index
          %get3A_121 = arith.constant 16 : index
          %get3A_122 = tpu.vector_load %arg9[%get3A_120, %get3A_121] {strides = array<i32>} : memref<125x80xf32, #tpu.memory_space<vmem>>, vector<1x16xf32>,
          %get3A_123 = vector.shape_cast %get3A_122 : vector<1x16xf32> to vector<16xf32>
          %mul3A_124 = arith.mulf %get3A_123, %exp3A : vector<16xf32>
          %swap3A_125 = arith.index_cast %scan3A_98 : i32 to index
          %swap3A_126 = arith.constant 16 : index
          %swap3A_127 = tpu.vector_load %arg9[%swap3A_125, %swap3A_126] {strides = array<i32>} : memref<125x80xf32, #tpu.memory_space<vmem>>, vector<1x16xf32>,
          %swap3A_128 = vector.shape_cast %swap3A_127 : vector<1x16xf32> to vector<16xf32>
          %swap3A_129 = vector.shape_cast %mul3A_124 : vector<16xf32> to vector<1x16xf32>
          tpu.vector_store %arg9[%swap3A_125, %swap3A_126], %swap3A_129 {strides = array<i32>} : memref<125x80xf32, #tpu.memory_space<vmem>>, vector<1x16xf32>,
          %get3A_130 = arith.index_cast %scan3A_98 : i32 to index
          %get3A_131 = arith.constant 32 : index
          %get3A_132 = tpu.vector_load %arg9[%get3A_130, %get3A_131] {strides = array<i32>} : memref<125x80xf32, #tpu.memory_space<vmem>>, vector<1x16xf32>,
          %get3A_133 = vector.shape_cast %get3A_132 : vector<1x16xf32> to vector<16xf32>
          %mul3A_134 = arith.mulf %get3A_133, %exp3A : vector<16xf32>
          %swap3A_135 = arith.index_cast %scan3A_98 : i32 to index
          %swap3A_136 = arith.constant 32 : index
          %swap3A_137 = tpu.vector_load %arg9[%swap3A_135, %swap3A_136] {strides = array<i32>} : memref<125x80xf32, #tpu.memory_space<vmem>>, vector<1x16xf32>,
          %swap3A_138 = vector.shape_cast %swap3A_137 : vector<1x16xf32> to vector<16xf32>
          %swap3A_139 = vector.shape_cast %mul3A_134 : vector<16xf32> to vector<1x16xf32>
          tpu.vector_store %arg9[%swap3A_135, %swap3A_136], %swap3A_139 {strides = array<i32>} : memref<125x80xf32, #tpu.memory_space<vmem>>, vector<1x16xf32>,
          %get3A_140 = arith.index_cast %scan3A_98 : i32 to index
          %get3A_141 = arith.constant 48 : index
          %get3A_142 = tpu.vector_load %arg9[%get3A_140, %get3A_141] {strides = array<i32>} : memref<125x80xf32, #tpu.memory_space<vmem>>, vector<1x16xf32>,
          %get3A_143 = vector.shape_cast %get3A_142 : vector<1x16xf32> to vector<16xf32>
          %mul3A_144 = arith.mulf %get3A_143, %exp3A : vector<16xf32>
          %swap3A_145 = arith.index_cast %scan3A_98 : i32 to index
          %swap3A_146 = arith.constant 48 : index
          %swap3A_147 = tpu.vector_load %arg9[%swap3A_145, %swap3A_146] {strides = array<i32>} : memref<125x80xf32, #tpu.memory_space<vmem>>, vector<1x16xf32>,
          %swap3A_148 = vector.shape_cast %swap3A_147 : vector<1x16xf32> to vector<16xf32>
          %swap3A_149 = vector.shape_cast %mul3A_144 : vector<16xf32> to vector<1x16xf32>
          tpu.vector_store %arg9[%swap3A_145, %swap3A_146], %swap3A_149 {strides = array<i32>} : memref<125x80xf32, #tpu.memory_space<vmem>>, vector<1x16xf32>,
          %swap3A_150 = arith.index_cast %scan3A_98 : i32 to index
          %swap3A_151 = arith.constant 64 : index
          %swap3A_152 = tpu.vector_load %arg9[%swap3A_150, %swap3A_151] {strides = array<i32>} : memref<125x80xf32, #tpu.memory_space<vmem>>, vector<1x16xf32>,
          %swap3A_153 = vector.shape_cast %swap3A_152 : vector<1x16xf32> to vector<16xf32>
          %swap3A_154 = vector.shape_cast %exp3A : vector<16xf32> to vector<1x16xf32>
          tpu.vector_store %arg9[%swap3A_150, %swap3A_151], %swap3A_154 {strides = array<i32>} : memref<125x80xf32, #tpu.memory_space<vmem>>, vector<1x16xf32>,
          %scan3A_155 = arith.constant 0 : i32
          scf.yield %scan3A_155 : i32
        }
        %scan3A_90 = arith.constant 125 : i32
        %dma_start3A_91 = arith.constant 1 : i32
        %dma_start3A_92 = arith.constant 0 : i32
        %dma_start3A_93 = tpu.memref_slice %arg7[%dma_start3A_91, %dma_start3A_92] : memref<2x125xi32, #tpu.memory_space<vmem>> -> memref<1x125xi32, #tpu.memory_space<vmem>>
        %dma_start3A_94 = tpu.memref_squeeze %dma_start3A_93 : memref<1x125xi32, #tpu.memory_space<vmem>> -> memref<125xi32, #tpu.memory_space<vmem>>
        %dma_start3A_95 = arith.constant 0 : i32
        %dma_start3A_96 = arith.constant 0 : i32
        %dma_start3A_97 = tpu.memref_slice %arg12[%dma_start3A_95, %dma_start3A_96] : memref<10000x80xf32, #tpu.memory_space<vmem_shared>> -> memref<10000x80xf32, #tpu.memory_space<vmem_shared>>
        tpu.enqueue_indirect_dma source(%arg9 : memref<125x80xf32, #tpu.memory_space<vmem>>) target(%dma_start3A_97 : memref<10000x80xf32, #tpu.memory_space<vmem_shared>>) offsets(%dma_start3A_94 : memref<125xi32, #tpu.memory_space<vmem>>) semaphore(%arg16 : memref<!tpu.dma_semaphore, #tpu.memory_space<semaphore_mem>>) {add = true}
      } else {
      }
      %scan3A_59 = arith.constant 0 : i32
      scf.yield %scan3A_59 : i32
    }
    %scan3A_39 = arith.constant 80 : i32
    %dma_wait3A = arith.constant 1 : i32
    %dma_wait3A_40 = arith.constant 0 : i32
    %dma_wait3A_41 = tpu.memref_slice %arg7[%dma_wait3A, %dma_wait3A_40] : memref<2x125xi32, #tpu.memory_space<vmem>> -> memref<1x125xi32, #tpu.memory_space<vmem>>
    %dma_wait3A_42 = tpu.memref_squeeze %dma_wait3A_41 : memref<1x125xi32, #tpu.memory_space<vmem>> -> memref<125xi32, #tpu.memory_space<vmem>>
    %dma_wait3A_43 = arith.constant 0 : i32
    %dma_wait3A_44 = arith.constant 0 : i32
    %dma_wait3A_45 = tpu.memref_slice %arg12[%dma_wait3A_43, %dma_wait3A_44] : memref<10000x80xf32, #tpu.memory_space<vmem_shared>> -> memref<10000x80xf32, #tpu.memory_space<vmem_shared>>
    tpu.wait_indirect_dma semaphore(%arg16 : memref<!tpu.dma_semaphore, #tpu.memory_space<semaphore_mem>>) src(%arg9 : memref<125x80xf32, #tpu.memory_space<vmem>>) dst(%dma_wait3A_45 : memref<10000x80xf32, #tpu.memory_space<vmem_shared>>)
    %barrier3A_46 = arith.constant 0 : index
    tpu.barrier barrier_id(%barrier3A_46)
    "tpu.region"() ({
      %run_scoped3A = tpu.sem_alloc : memref<!tpu.dma_semaphore, #tpu.memory_space<semaphore_mem>>
      %dma_start3A_47 = arith.constant 0 : i32
      %dma_start3A_48 = tpu.memref_slice %arg5[%arg0, %min3A_10, %dma_start3A_47] : memref<2x10000x80xf32, #tpu.memory_space<hbm>> -> memref<1x632x80xf32, #tpu.memory_space<hbm>>
      %dma_start3A_49 = tpu.memref_squeeze %dma_start3A_48 : memref<1x632x80xf32, #tpu.memory_space<hbm>> -> memref<632x80xf32, #tpu.memory_space<hbm>>
      %dma_start3A_50 = arith.constant 0 : i32
      %dma_start3A_51 = tpu.memref_slice %arg12[%min3A_10, %dma_start3A_50] : memref<10000x80xf32, #tpu.memory_space<vmem_shared>> -> memref<632x80xf32, #tpu.memory_space<vmem_shared>>
      tpu.enqueue_dma source(%dma_start3A_51 : memref<632x80xf32, #tpu.memory_space<vmem_shared>>) target(%dma_start3A_49 : memref<632x80xf32, #tpu.memory_space<hbm>>) target_semaphore(%run_scoped3A : memref<!tpu.dma_semaphore, #tpu.memory_space<semaphore_mem>>)
      %dma_wait3A_52 = arith.constant 0 : i32
      %dma_wait3A_53 = tpu.memref_slice %arg5[%arg0, %min3A_10, %dma_wait3A_52] : memref<2x10000x80xf32, #tpu.memory_space<hbm>> -> memref<1x632x80xf32, #tpu.memory_space<hbm>>
      %dma_wait3A_54 = tpu.memref_squeeze %dma_wait3A_53 : memref<1x632x80xf32, #tpu.memory_space<hbm>> -> memref<632x80xf32, #tpu.memory_space<hbm>>
      %dma_wait3A_55 = arith.constant 0 : i32
      %dma_wait3A_56 = tpu.memref_slice %arg12[%min3A_10, %dma_wait3A_55] : memref<10000x80xf32, #tpu.memory_space<vmem_shared>> -> memref<632x80xf32, #tpu.memory_space<vmem_shared>>
      tpu.wait_dma2 semaphore(%run_scoped3A : memref<!tpu.dma_semaphore, #tpu.memory_space<semaphore_mem>>) src(%dma_wait3A_56 : memref<632x80xf32, #tpu.memory_space<vmem_shared>>) dst(%dma_wait3A_54 : memref<632x80xf32, #tpu.memory_space<hbm>>)
      tpu.yield
    }) : () -> ()
    return
  }
}

#map = affine_map<(d0, d1) -> (0, 0)>
#map1 = affine_map<(d0, d1) -> (0, 0, 0)>
module attributes {stable_mosaic.version = 14 : i64} {
  func.func @agg(%arg0: i32, %arg1: i32, %arg2: memref<10000x144xf32, #tpu.memory_space<hbm>>, %arg3: memref<10000x16xf32, #tpu.memory_space<hbm>>, %arg4: memref<2560x2x125xi32, #tpu.memory_space<hbm>>, %arg5: memref<2x10000x144xf32, #tpu.memory_space<hbm>>, %arg6: memref<2x125xi32, #tpu.memory_space<vmem>>, %arg7: memref<2x125xi32, #tpu.memory_space<vmem>>, %arg8: memref<125x144xf32, #tpu.memory_space<vmem>>, %arg9: memref<125x144xf32, #tpu.memory_space<vmem>>, %arg10: memref<125x16xf32, #tpu.memory_space<vmem>>, %arg11: memref<125x16xf32, #tpu.memory_space<vmem>>, %arg12: memref<10000x144xf32, #tpu.memory_space<vmem_shared>>, %arg13: memref<!tpu.dma_semaphore, #tpu.memory_space<semaphore_mem>>, %arg14: memref<!tpu.dma_semaphore, #tpu.memory_space<semaphore_mem>>, %arg15: memref<!tpu.dma_semaphore, #tpu.memory_space<semaphore_mem>>, %arg16: memref<!tpu.dma_semaphore, #tpu.memory_space<semaphore_mem>>) attributes {dimension_semantics = [#tpu.dimension_semantics<core_parallel>, #tpu.dimension_semantics<subcore_parallel>], iteration_bounds = array<i64: 2, 16>, scalar_prefetch = 0 : i64, scratch_operands = 11 : i64, tpu.core_type = #tpu.core_type<sc_vector_subcore>, window_params = [{transform_indices = #map}, {transform_indices = #map}, {transform_indices = #map1}, {transform_indices = #map1}]} {
    %mul3A = arith.constant 2 : i32
    %mul3A_0 = arith.muli %arg1, %mul3A : i32
    %add3A = arith.addi %mul3A_0, %arg0 : i32
    %broadcast_in_dim3A = arith.constant 0.000000e+00 : f32
    %broadcast_in_dim3A_1 = vector.broadcast %broadcast_in_dim3A : f32 to vector<16xf32>
    %scan3A = arith.constant 0 : i32
    %scan3A_2 = arith.constant 0 : i32
    %scan3A_3 = arith.constant 125 : i32
    %scan3A_4 = arith.addi %scan3A_2, %scan3A_3 : i32
    %scan3A_5 = arith.constant 1 : i32
    %scan3A_6 = scf.for %scan3A_47 = %scan3A_2 to %scan3A_4 step %scan3A_5 iter_args(%scan3A_48 = %scan3A) -> (i32)  : i32 {
      %swap3A = arith.index_cast %scan3A_47 : i32 to index
      %swap3A_49 = arith.constant 0 : index
      %swap3A_50 = tpu.vector_load %arg8[%swap3A, %swap3A_49] {strides = array<i32>} : memref<125x144xf32, #tpu.memory_space<vmem>>, vector<1x16xf32>,
      %swap3A_51 = vector.shape_cast %swap3A_50 : vector<1x16xf32> to vector<16xf32>
      %swap3A_52 = vector.shape_cast %broadcast_in_dim3A_1 : vector<16xf32> to vector<1x16xf32>
      tpu.vector_store %arg8[%swap3A, %swap3A_49], %swap3A_52 {strides = array<i32>} : memref<125x144xf32, #tpu.memory_space<vmem>>, vector<1x16xf32>,
      %swap3A_53 = arith.index_cast %scan3A_47 : i32 to index
      %swap3A_54 = arith.constant 16 : index
      %swap3A_55 = tpu.vector_load %arg8[%swap3A_53, %swap3A_54] {strides = array<i32>} : memref<125x144xf32, #tpu.memory_space<vmem>>, vector<1x16xf32>,
      %swap3A_56 = vector.shape_cast %swap3A_55 : vector<1x16xf32> to vector<16xf32>
      %swap3A_57 = vector.shape_cast %broadcast_in_dim3A_1 : vector<16xf32> to vector<1x16xf32>
      tpu.vector_store %arg8[%swap3A_53, %swap3A_54], %swap3A_57 {strides = array<i32>} : memref<125x144xf32, #tpu.memory_space<vmem>>, vector<1x16xf32>,
      %swap3A_58 = arith.index_cast %scan3A_47 : i32 to index
      %swap3A_59 = arith.constant 32 : index
      %swap3A_60 = tpu.vector_load %arg8[%swap3A_58, %swap3A_59] {strides = array<i32>} : memref<125x144xf32, #tpu.memory_space<vmem>>, vector<1x16xf32>,
      %swap3A_61 = vector.shape_cast %swap3A_60 : vector<1x16xf32> to vector<16xf32>
      %swap3A_62 = vector.shape_cast %broadcast_in_dim3A_1 : vector<16xf32> to vector<1x16xf32>
      tpu.vector_store %arg8[%swap3A_58, %swap3A_59], %swap3A_62 {strides = array<i32>} : memref<125x144xf32, #tpu.memory_space<vmem>>, vector<1x16xf32>,
      %swap3A_63 = arith.index_cast %scan3A_47 : i32 to index
      %swap3A_64 = arith.constant 48 : index
      %swap3A_65 = tpu.vector_load %arg8[%swap3A_63, %swap3A_64] {strides = array<i32>} : memref<125x144xf32, #tpu.memory_space<vmem>>, vector<1x16xf32>,
      %swap3A_66 = vector.shape_cast %swap3A_65 : vector<1x16xf32> to vector<16xf32>
      %swap3A_67 = vector.shape_cast %broadcast_in_dim3A_1 : vector<16xf32> to vector<1x16xf32>
      tpu.vector_store %arg8[%swap3A_63, %swap3A_64], %swap3A_67 {strides = array<i32>} : memref<125x144xf32, #tpu.memory_space<vmem>>, vector<1x16xf32>,
      %swap3A_68 = arith.index_cast %scan3A_47 : i32 to index
      %swap3A_69 = arith.constant 64 : index
      %swap3A_70 = tpu.vector_load %arg8[%swap3A_68, %swap3A_69] {strides = array<i32>} : memref<125x144xf32, #tpu.memory_space<vmem>>, vector<1x16xf32>,
      %swap3A_71 = vector.shape_cast %swap3A_70 : vector<1x16xf32> to vector<16xf32>
      %swap3A_72 = vector.shape_cast %broadcast_in_dim3A_1 : vector<16xf32> to vector<1x16xf32>
      tpu.vector_store %arg8[%swap3A_68, %swap3A_69], %swap3A_72 {strides = array<i32>} : memref<125x144xf32, #tpu.memory_space<vmem>>, vector<1x16xf32>,
      %swap3A_73 = arith.index_cast %scan3A_47 : i32 to index
      %swap3A_74 = arith.constant 80 : index
      %swap3A_75 = tpu.vector_load %arg8[%swap3A_73, %swap3A_74] {strides = array<i32>} : memref<125x144xf32, #tpu.memory_space<vmem>>, vector<1x16xf32>,
      %swap3A_76 = vector.shape_cast %swap3A_75 : vector<1x16xf32> to vector<16xf32>
      %swap3A_77 = vector.shape_cast %broadcast_in_dim3A_1 : vector<16xf32> to vector<1x16xf32>
      tpu.vector_store %arg8[%swap3A_73, %swap3A_74], %swap3A_77 {strides = array<i32>} : memref<125x144xf32, #tpu.memory_space<vmem>>, vector<1x16xf32>,
      %swap3A_78 = arith.index_cast %scan3A_47 : i32 to index
      %swap3A_79 = arith.constant 96 : index
      %swap3A_80 = tpu.vector_load %arg8[%swap3A_78, %swap3A_79] {strides = array<i32>} : memref<125x144xf32, #tpu.memory_space<vmem>>, vector<1x16xf32>,
      %swap3A_81 = vector.shape_cast %swap3A_80 : vector<1x16xf32> to vector<16xf32>
      %swap3A_82 = vector.shape_cast %broadcast_in_dim3A_1 : vector<16xf32> to vector<1x16xf32>
      tpu.vector_store %arg8[%swap3A_78, %swap3A_79], %swap3A_82 {strides = array<i32>} : memref<125x144xf32, #tpu.memory_space<vmem>>, vector<1x16xf32>,
      %swap3A_83 = arith.index_cast %scan3A_47 : i32 to index
      %swap3A_84 = arith.constant 112 : index
      %swap3A_85 = tpu.vector_load %arg8[%swap3A_83, %swap3A_84] {strides = array<i32>} : memref<125x144xf32, #tpu.memory_space<vmem>>, vector<1x16xf32>,
      %swap3A_86 = vector.shape_cast %swap3A_85 : vector<1x16xf32> to vector<16xf32>
      %swap3A_87 = vector.shape_cast %broadcast_in_dim3A_1 : vector<16xf32> to vector<1x16xf32>
      tpu.vector_store %arg8[%swap3A_83, %swap3A_84], %swap3A_87 {strides = array<i32>} : memref<125x144xf32, #tpu.memory_space<vmem>>, vector<1x16xf32>,
      %swap3A_88 = arith.index_cast %scan3A_47 : i32 to index
      %swap3A_89 = arith.constant 128 : index
      %swap3A_90 = tpu.vector_load %arg8[%swap3A_88, %swap3A_89] {strides = array<i32>} : memref<125x144xf32, #tpu.memory_space<vmem>>, vector<1x16xf32>,
      %swap3A_91 = vector.shape_cast %swap3A_90 : vector<1x16xf32> to vector<16xf32>
      %swap3A_92 = vector.shape_cast %broadcast_in_dim3A_1 : vector<16xf32> to vector<1x16xf32>
      tpu.vector_store %arg8[%swap3A_88, %swap3A_89], %swap3A_92 {strides = array<i32>} : memref<125x144xf32, #tpu.memory_space<vmem>>, vector<1x16xf32>,
      %scan3A_93 = arith.constant 0 : i32
      scf.yield %scan3A_93 : i32
    }
    %scan3A_7 = arith.constant 125 : i32
    %mul3A_8 = arith.constant 632 : i32
    %mul3A_9 = arith.muli %arg1, %mul3A_8 : i32
    %min3A = arith.constant 9368 : i32
    %min3A_10 = arith.minsi %mul3A_9, %min3A : i32
    %scan3A_11 = arith.constant 0 : i32
    %scan3A_12 = arith.constant 0 : i32
    %scan3A_13 = arith.constant 7 : i32
    %scan3A_14 = arith.addi %scan3A_12, %scan3A_13 : i32
    %scan3A_15 = arith.constant 1 : i32
    %scan3A_16 = scf.for %scan3A_47 = %scan3A_12 to %scan3A_14 step %scan3A_15 iter_args(%scan3A_48 = %scan3A_11) -> (i32)  : i32 {
      %mul3A_49 = arith.constant 96 : i32
      %mul3A_50 = arith.muli %scan3A_47, %mul3A_49 : i32
      %min3A_51 = arith.constant 536 : i32
      %min3A_52 = arith.minsi %mul3A_50, %min3A_51 : i32
      %add3A_53 = arith.addi %min3A_10, %min3A_52 : i32
      "tpu.region"() ({
        %run_scoped3A = tpu.sem_alloc : memref<!tpu.dma_semaphore, #tpu.memory_space<semaphore_mem>>
        %dma_start3A_55 = arith.constant 0 : i32
        %dma_start3A_56 = arith.constant 0 : i32
        %dma_start3A_57 = tpu.memref_slice %arg8[%dma_start3A_55, %dma_start3A_56] : memref<125x144xf32, #tpu.memory_space<vmem>> -> memref<96x144xf32, #tpu.memory_space<vmem>>
        %dma_start3A_58 = arith.constant 0 : i32
        %dma_start3A_59 = tpu.memref_slice %arg12[%add3A_53, %dma_start3A_58] : memref<10000x144xf32, #tpu.memory_space<vmem_shared>> -> memref<96x144xf32, #tpu.memory_space<vmem_shared>>
        %dma_start3A_60 = arith.constant 0 : i32
        %dma_start3A_61 = tpu.memref_slice %arg12[%add3A_53, %dma_start3A_60] : memref<10000x144xf32, #tpu.memory_space<vmem_shared>> -> memref<96x144xf32, #tpu.memory_space<vmem_shared>>
        %dma_start3A_62 = arith.constant 0 : i32
        %dma_start3A_63 = arith.constant 0 : i32
        %dma_start3A_64 = tpu.memref_slice %arg8[%dma_start3A_62, %dma_start3A_63] : memref<125x144xf32, #tpu.memory_space<vmem>> -> memref<96x144xf32, #tpu.memory_space<vmem>>
        tpu.enqueue_dma source(%dma_start3A_64 : memref<96x144xf32, #tpu.memory_space<vmem>>) target(%dma_start3A_61 : memref<96x144xf32, #tpu.memory_space<vmem_shared>>) target_semaphore(%run_scoped3A : memref<!tpu.dma_semaphore, #tpu.memory_space<semaphore_mem>>)
        %dma_wait3A_65 = arith.constant 0 : i32
        %dma_wait3A_66 = arith.constant 0 : i32
        %dma_wait3A_67 = tpu.memref_slice %arg8[%dma_wait3A_65, %dma_wait3A_66] : memref<125x144xf32, #tpu.memory_space<vmem>> -> memref<96x144xf32, #tpu.memory_space<vmem>>
        %dma_wait3A_68 = arith.constant 0 : i32
        %dma_wait3A_69 = tpu.memref_slice %arg12[%add3A_53, %dma_wait3A_68] : memref<10000x144xf32, #tpu.memory_space<vmem_shared>> -> memref<96x144xf32, #tpu.memory_space<vmem_shared>>
        %dma_wait3A_70 = arith.constant 0 : i32
        %dma_wait3A_71 = tpu.memref_slice %arg12[%add3A_53, %dma_wait3A_70] : memref<10000x144xf32, #tpu.memory_space<vmem_shared>> -> memref<96x144xf32, #tpu.memory_space<vmem_shared>>
        %dma_wait3A_72 = arith.constant 0 : i32
        %dma_wait3A_73 = arith.constant 0 : i32
        %dma_wait3A_74 = tpu.memref_slice %arg8[%dma_wait3A_72, %dma_wait3A_73] : memref<125x144xf32, #tpu.memory_space<vmem>> -> memref<96x144xf32, #tpu.memory_space<vmem>>
        tpu.wait_dma2 semaphore(%run_scoped3A : memref<!tpu.dma_semaphore, #tpu.memory_space<semaphore_mem>>) src(%dma_wait3A_74 : memref<96x144xf32, #tpu.memory_space<vmem>>) dst(%dma_wait3A_71 : memref<96x144xf32, #tpu.memory_space<vmem_shared>>)
        tpu.yield
      }) : () -> ()
      %scan3A_54 = arith.constant 0 : i32
      scf.yield %scan3A_54 : i32
    }
    %scan3A_17 = arith.constant 7 : i32
    %barrier3A = arith.constant 0 : index
    tpu.barrier barrier_id(%barrier3A)
    %mul3A_18 = arith.constant 80 : i32
    %mul3A_19 = arith.muli %add3A, %mul3A_18 : i32
    "tpu.region"() ({
      %run_scoped3A = tpu.sem_alloc : memref<!tpu.dma_semaphore, #tpu.memory_space<semaphore_mem>>
      %dma_start3A_47 = arith.constant 0 : i32
      %dma_start3A_48 = arith.constant 0 : i32
      %dma_start3A_49 = tpu.memref_slice %arg4[%mul3A_19, %dma_start3A_47, %dma_start3A_48] : memref<2560x2x125xi32, #tpu.memory_space<hbm>> -> memref<1x2x125xi32, #tpu.memory_space<hbm>>
      %dma_start3A_50 = tpu.memref_squeeze %dma_start3A_49 : memref<1x2x125xi32, #tpu.memory_space<hbm>> -> memref<2x125xi32, #tpu.memory_space<hbm>>
      %dma_start3A_51 = arith.constant 0 : i32
      %dma_start3A_52 = arith.constant 0 : i32
      %dma_start3A_53 = tpu.memref_slice %arg4[%mul3A_19, %dma_start3A_51, %dma_start3A_52] : memref<2560x2x125xi32, #tpu.memory_space<hbm>> -> memref<1x2x125xi32, #tpu.memory_space<hbm>>
      %dma_start3A_54 = tpu.memref_squeeze %dma_start3A_53 : memref<1x2x125xi32, #tpu.memory_space<hbm>> -> memref<2x125xi32, #tpu.memory_space<hbm>>
      tpu.enqueue_dma source(%dma_start3A_54 : memref<2x125xi32, #tpu.memory_space<hbm>>) target(%arg6 : memref<2x125xi32, #tpu.memory_space<vmem>>) target_semaphore(%run_scoped3A : memref<!tpu.dma_semaphore, #tpu.memory_space<semaphore_mem>>)
      %dma_wait3A_55 = arith.constant 0 : i32
      %dma_wait3A_56 = arith.constant 0 : i32
      %dma_wait3A_57 = tpu.memref_slice %arg4[%mul3A_19, %dma_wait3A_55, %dma_wait3A_56] : memref<2560x2x125xi32, #tpu.memory_space<hbm>> -> memref<1x2x125xi32, #tpu.memory_space<hbm>>
      %dma_wait3A_58 = tpu.memref_squeeze %dma_wait3A_57 : memref<1x2x125xi32, #tpu.memory_space<hbm>> -> memref<2x125xi32, #tpu.memory_space<hbm>>
      %dma_wait3A_59 = arith.constant 0 : i32
      %dma_wait3A_60 = arith.constant 0 : i32
      %dma_wait3A_61 = tpu.memref_slice %arg4[%mul3A_19, %dma_wait3A_59, %dma_wait3A_60] : memref<2560x2x125xi32, #tpu.memory_space<hbm>> -> memref<1x2x125xi32, #tpu.memory_space<hbm>>
      %dma_wait3A_62 = tpu.memref_squeeze %dma_wait3A_61 : memref<1x2x125xi32, #tpu.memory_space<hbm>> -> memref<2x125xi32, #tpu.memory_space<hbm>>
      tpu.wait_dma2 semaphore(%run_scoped3A : memref<!tpu.dma_semaphore, #tpu.memory_space<semaphore_mem>>) src(%dma_wait3A_62 : memref<2x125xi32, #tpu.memory_space<hbm>>) dst(%arg6 : memref<2x125xi32, #tpu.memory_space<vmem>>)
      tpu.yield
    }) : () -> ()
    %dma_start3A = arith.constant 0 : i32
    %dma_start3A_20 = arith.constant 0 : i32
    %dma_start3A_21 = tpu.memref_slice %arg6[%dma_start3A, %dma_start3A_20] : memref<2x125xi32, #tpu.memory_space<vmem>> -> memref<1x125xi32, #tpu.memory_space<vmem>>
    %dma_start3A_22 = tpu.memref_squeeze %dma_start3A_21 : memref<1x125xi32, #tpu.memory_space<vmem>> -> memref<125xi32, #tpu.memory_space<vmem>>
    %dma_start3A_23 = arith.constant 0 : i32
    %dma_start3A_24 = arith.constant 0 : i32
    %dma_start3A_25 = tpu.memref_slice %arg2[%dma_start3A_23, %dma_start3A_24] : memref<10000x144xf32, #tpu.memory_space<hbm>> -> memref<10000x144xf32, #tpu.memory_space<hbm>>
    tpu.enqueue_indirect_dma source(%dma_start3A_25 : memref<10000x144xf32, #tpu.memory_space<hbm>>) target(%arg8 : memref<125x144xf32, #tpu.memory_space<vmem>>) offsets(%dma_start3A_22 : memref<125xi32, #tpu.memory_space<vmem>>) semaphore(%arg13 : memref<!tpu.dma_semaphore, #tpu.memory_space<semaphore_mem>>)
    %dma_start3A_26 = arith.constant 1 : i32
    %dma_start3A_27 = arith.constant 0 : i32
    %dma_start3A_28 = tpu.memref_slice %arg6[%dma_start3A_26, %dma_start3A_27] : memref<2x125xi32, #tpu.memory_space<vmem>> -> memref<1x125xi32, #tpu.memory_space<vmem>>
    %dma_start3A_29 = tpu.memref_squeeze %dma_start3A_28 : memref<1x125xi32, #tpu.memory_space<vmem>> -> memref<125xi32, #tpu.memory_space<vmem>>
    %dma_start3A_30 = arith.constant 0 : i32
    %dma_start3A_31 = arith.constant 0 : i32
    %dma_start3A_32 = tpu.memref_slice %arg3[%dma_start3A_30, %dma_start3A_31] : memref<10000x16xf32, #tpu.memory_space<hbm>> -> memref<10000x16xf32, #tpu.memory_space<hbm>>
    tpu.enqueue_indirect_dma source(%dma_start3A_32 : memref<10000x16xf32, #tpu.memory_space<hbm>>) target(%arg10 : memref<125x16xf32, #tpu.memory_space<vmem>>) offsets(%dma_start3A_29 : memref<125xi32, #tpu.memory_space<vmem>>) semaphore(%arg13 : memref<!tpu.dma_semaphore, #tpu.memory_space<semaphore_mem>>)
    %scan3A_33 = arith.constant 0 : i32
    %scan3A_34 = arith.constant 0 : i32
    %scan3A_35 = arith.constant 80 : i32
    %scan3A_36 = arith.addi %scan3A_34, %scan3A_35 : i32
    %scan3A_37 = arith.constant 1 : i32
    %scan3A_38 = scf.for %scan3A_47 = %scan3A_34 to %scan3A_36 step %scan3A_37 iter_args(%scan3A_48 = %scan3A_33) -> (i32)  : i32 {
      %and3A = arith.constant 1 : i32
      %and3A_49 = arith.andi %scan3A_47, %and3A : i32
      %eq3A = arith.constant 0 : i32
      %eq3A_50 = arith.cmpi eq, %and3A_49, %eq3A : i32
      %convert_element_type3A = arith.extui %eq3A_50 : i1 to i32
      %cond3A = arith.constant 0 : i32
      %cond3A_51 = arith.cmpi ne, %convert_element_type3A, %cond3A : i32
      scf.if %cond3A_51 {
        %ge3A = arith.constant 1 : i32
        %ge3A_60 = arith.cmpi sge, %scan3A_47, %ge3A : i32
        %convert_element_type3A_61 = arith.extui %ge3A_60 : i1 to i32
        %cond3A_62 = arith.constant 0 : i32
        %cond3A_63 = arith.cmpi ne, %convert_element_type3A_61, %cond3A_62 : i32
        scf.if %cond3A_63 {
          %dma_wait3A_98 = arith.constant 1 : i32
          %dma_wait3A_99 = arith.constant 0 : i32
          %dma_wait3A_100 = tpu.memref_slice %arg7[%dma_wait3A_98, %dma_wait3A_99] : memref<2x125xi32, #tpu.memory_space<vmem>> -> memref<1x125xi32, #tpu.memory_space<vmem>>
          %dma_wait3A_101 = tpu.memref_squeeze %dma_wait3A_100 : memref<1x125xi32, #tpu.memory_space<vmem>> -> memref<125xi32, #tpu.memory_space<vmem>>
          %dma_wait3A_102 = arith.constant 0 : i32
          %dma_wait3A_103 = arith.constant 0 : i32
          %dma_wait3A_104 = tpu.memref_slice %arg12[%dma_wait3A_102, %dma_wait3A_103] : memref<10000x144xf32, #tpu.memory_space<vmem_shared>> -> memref<10000x144xf32, #tpu.memory_space<vmem_shared>>
          tpu.wait_indirect_dma semaphore(%arg16 : memref<!tpu.dma_semaphore, #tpu.memory_space<semaphore_mem>>) src(%arg9 : memref<125x144xf32, #tpu.memory_space<vmem>>) dst(%dma_wait3A_104 : memref<10000x144xf32, #tpu.memory_space<vmem_shared>>)
        } else {
        }
        %add3A_64 = arith.constant 1 : i32
        %add3A_65 = arith.addi %scan3A_47, %add3A_64 : i32
        %lt3A = arith.constant 80 : i32
        %lt3A_66 = arith.cmpi slt, %add3A_65, %lt3A : i32
        %convert_element_type3A_67 = arith.extui %lt3A_66 : i1 to i32
        %cond3A_68 = arith.constant 0 : i32
        %cond3A_69 = arith.cmpi ne, %convert_element_type3A_67, %cond3A_68 : i32
        scf.if %cond3A_69 {
          %add3A_98 = arith.addi %mul3A_19, %scan3A_47 : i32
          %add3A_99 = arith.constant 1 : i32
          %add3A_100 = arith.addi %add3A_98, %add3A_99 : i32
          "tpu.region"() ({
            %run_scoped3A = tpu.sem_alloc : memref<!tpu.dma_semaphore, #tpu.memory_space<semaphore_mem>>
            %dma_start3A_115 = arith.constant 0 : i32
            %dma_start3A_116 = arith.constant 0 : i32
            %dma_start3A_117 = tpu.memref_slice %arg4[%add3A_100, %dma_start3A_115, %dma_start3A_116] : memref<2560x2x125xi32, #tpu.memory_space<hbm>> -> memref<1x2x125xi32, #tpu.memory_space<hbm>>
            %dma_start3A_118 = tpu.memref_squeeze %dma_start3A_117 : memref<1x2x125xi32, #tpu.memory_space<hbm>> -> memref<2x125xi32, #tpu.memory_space<hbm>>
            %dma_start3A_119 = arith.constant 0 : i32
            %dma_start3A_120 = arith.constant 0 : i32
            %dma_start3A_121 = tpu.memref_slice %arg4[%add3A_100, %dma_start3A_119, %dma_start3A_120] : memref<2560x2x125xi32, #tpu.memory_space<hbm>> -> memref<1x2x125xi32, #tpu.memory_space<hbm>>
            %dma_start3A_122 = tpu.memref_squeeze %dma_start3A_121 : memref<1x2x125xi32, #tpu.memory_space<hbm>> -> memref<2x125xi32, #tpu.memory_space<hbm>>
            tpu.enqueue_dma source(%dma_start3A_122 : memref<2x125xi32, #tpu.memory_space<hbm>>) target(%arg7 : memref<2x125xi32, #tpu.memory_space<vmem>>) target_semaphore(%run_scoped3A : memref<!tpu.dma_semaphore, #tpu.memory_space<semaphore_mem>>)
            %dma_wait3A_123 = arith.constant 0 : i32
            %dma_wait3A_124 = arith.constant 0 : i32
            %dma_wait3A_125 = tpu.memref_slice %arg4[%add3A_100, %dma_wait3A_123, %dma_wait3A_124] : memref<2560x2x125xi32, #tpu.memory_space<hbm>> -> memref<1x2x125xi32, #tpu.memory_space<hbm>>
            %dma_wait3A_126 = tpu.memref_squeeze %dma_wait3A_125 : memref<1x2x125xi32, #tpu.memory_space<hbm>> -> memref<2x125xi32, #tpu.memory_space<hbm>>
            %dma_wait3A_127 = arith.constant 0 : i32
            %dma_wait3A_128 = arith.constant 0 : i32
            %dma_wait3A_129 = tpu.memref_slice %arg4[%add3A_100, %dma_wait3A_127, %dma_wait3A_128] : memref<2560x2x125xi32, #tpu.memory_space<hbm>> -> memref<1x2x125xi32, #tpu.memory_space<hbm>>
            %dma_wait3A_130 = tpu.memref_squeeze %dma_wait3A_129 : memref<1x2x125xi32, #tpu.memory_space<hbm>> -> memref<2x125xi32, #tpu.memory_space<hbm>>
            tpu.wait_dma2 semaphore(%run_scoped3A : memref<!tpu.dma_semaphore, #tpu.memory_space<semaphore_mem>>) src(%dma_wait3A_130 : memref<2x125xi32, #tpu.memory_space<hbm>>) dst(%arg7 : memref<2x125xi32, #tpu.memory_space<vmem>>)
            tpu.yield
          }) : () -> ()
          %dma_start3A_101 = arith.constant 0 : i32
          %dma_start3A_102 = arith.constant 0 : i32
          %dma_start3A_103 = tpu.memref_slice %arg7[%dma_start3A_101, %dma_start3A_102] : memref<2x125xi32, #tpu.memory_space<vmem>> -> memref<1x125xi32, #tpu.memory_space<vmem>>
          %dma_start3A_104 = tpu.memref_squeeze %dma_start3A_103 : memref<1x125xi32, #tpu.memory_space<vmem>> -> memref<125xi32, #tpu.memory_space<vmem>>
          %dma_start3A_105 = arith.constant 0 : i32
          %dma_start3A_106 = arith.constant 0 : i32
          %dma_start3A_107 = tpu.memref_slice %arg2[%dma_start3A_105, %dma_start3A_106] : memref<10000x144xf32, #tpu.memory_space<hbm>> -> memref<10000x144xf32, #tpu.memory_space<hbm>>
          tpu.enqueue_indirect_dma source(%dma_start3A_107 : memref<10000x144xf32, #tpu.memory_space<hbm>>) target(%arg9 : memref<125x144xf32, #tpu.memory_space<vmem>>) offsets(%dma_start3A_104 : memref<125xi32, #tpu.memory_space<vmem>>) semaphore(%arg14 : memref<!tpu.dma_semaphore, #tpu.memory_space<semaphore_mem>>)
          %dma_start3A_108 = arith.constant 1 : i32
          %dma_start3A_109 = arith.constant 0 : i32
          %dma_start3A_110 = tpu.memref_slice %arg7[%dma_start3A_108, %dma_start3A_109] : memref<2x125xi32, #tpu.memory_space<vmem>> -> memref<1x125xi32, #tpu.memory_space<vmem>>
          %dma_start3A_111 = tpu.memref_squeeze %dma_start3A_110 : memref<1x125xi32, #tpu.memory_space<vmem>> -> memref<125xi32, #tpu.memory_space<vmem>>
          %dma_start3A_112 = arith.constant 0 : i32
          %dma_start3A_113 = arith.constant 0 : i32
          %dma_start3A_114 = tpu.memref_slice %arg3[%dma_start3A_112, %dma_start3A_113] : memref<10000x16xf32, #tpu.memory_space<hbm>> -> memref<10000x16xf32, #tpu.memory_space<hbm>>
          tpu.enqueue_indirect_dma source(%dma_start3A_114 : memref<10000x16xf32, #tpu.memory_space<hbm>>) target(%arg11 : memref<125x16xf32, #tpu.memory_space<vmem>>) offsets(%dma_start3A_111 : memref<125xi32, #tpu.memory_space<vmem>>) semaphore(%arg14 : memref<!tpu.dma_semaphore, #tpu.memory_space<semaphore_mem>>)
        } else {
        }
        %dma_wait3A_70 = arith.constant 0 : i32
        %dma_wait3A_71 = arith.constant 0 : i32
        %dma_wait3A_72 = tpu.memref_slice %arg6[%dma_wait3A_70, %dma_wait3A_71] : memref<2x125xi32, #tpu.memory_space<vmem>> -> memref<1x125xi32, #tpu.memory_space<vmem>>
        %dma_wait3A_73 = tpu.memref_squeeze %dma_wait3A_72 : memref<1x125xi32, #tpu.memory_space<vmem>> -> memref<125xi32, #tpu.memory_space<vmem>>
        %dma_wait3A_74 = arith.constant 0 : i32
        %dma_wait3A_75 = arith.constant 0 : i32
        %dma_wait3A_76 = tpu.memref_slice %arg2[%dma_wait3A_74, %dma_wait3A_75] : memref<10000x144xf32, #tpu.memory_space<hbm>> -> memref<10000x144xf32, #tpu.memory_space<hbm>>
        tpu.wait_indirect_dma semaphore(%arg13 : memref<!tpu.dma_semaphore, #tpu.memory_space<semaphore_mem>>) src(%dma_wait3A_76 : memref<10000x144xf32, #tpu.memory_space<hbm>>) dst(%arg8 : memref<125x144xf32, #tpu.memory_space<vmem>>)
        %dma_wait3A_77 = arith.constant 1 : i32
        %dma_wait3A_78 = arith.constant 0 : i32
        %dma_wait3A_79 = tpu.memref_slice %arg6[%dma_wait3A_77, %dma_wait3A_78] : memref<2x125xi32, #tpu.memory_space<vmem>> -> memref<1x125xi32, #tpu.memory_space<vmem>>
        %dma_wait3A_80 = tpu.memref_squeeze %dma_wait3A_79 : memref<1x125xi32, #tpu.memory_space<vmem>> -> memref<125xi32, #tpu.memory_space<vmem>>
        %dma_wait3A_81 = arith.constant 0 : i32
        %dma_wait3A_82 = arith.constant 0 : i32
        %dma_wait3A_83 = tpu.memref_slice %arg3[%dma_wait3A_81, %dma_wait3A_82] : memref<10000x16xf32, #tpu.memory_space<hbm>> -> memref<10000x16xf32, #tpu.memory_space<hbm>>
        tpu.wait_indirect_dma semaphore(%arg13 : memref<!tpu.dma_semaphore, #tpu.memory_space<semaphore_mem>>) src(%dma_wait3A_83 : memref<10000x16xf32, #tpu.memory_space<hbm>>) dst(%arg10 : memref<125x16xf32, #tpu.memory_space<vmem>>)
        %scan3A_84 = arith.constant 0 : i32
        %scan3A_85 = arith.constant 0 : i32
        %scan3A_86 = arith.constant 125 : i32
        %scan3A_87 = arith.addi %scan3A_85, %scan3A_86 : i32
        %scan3A_88 = arith.constant 1 : i32
        %scan3A_89 = scf.for %scan3A_98 = %scan3A_85 to %scan3A_87 step %scan3A_88 iter_args(%scan3A_99 = %scan3A_84) -> (i32)  : i32 {
          %get3A = arith.index_cast %scan3A_98 : i32 to index
          %get3A_100 = arith.constant 128 : index
          %get3A_101 = tpu.vector_load %arg8[%get3A, %get3A_100] {strides = array<i32>} : memref<125x144xf32, #tpu.memory_space<vmem>>, vector<1x16xf32>,
          %get3A_102 = vector.shape_cast %get3A_101 : vector<1x16xf32> to vector<16xf32>
          %get3A_103 = arith.index_cast %scan3A_98 : i32 to index
          %get3A_104 = arith.constant 0 : index
          %get3A_105 = tpu.vector_load %arg10[%get3A_103, %get3A_104] {strides = array<i32>} : memref<125x16xf32, #tpu.memory_space<vmem>>, vector<1x16xf32>,
          %get3A_106 = vector.shape_cast %get3A_105 : vector<1x16xf32> to vector<16xf32>
          %add3A_107 = arith.addf %get3A_102, %get3A_106 : vector<16xf32>
          %mul3A_108 = arith.constant 2.000000e-01 : f32
          %mul3A_109 = vector.broadcast %mul3A_108 : f32 to vector<16xf32>
          %mul3A_110 = arith.mulf %mul3A_109, %add3A_107 : vector<16xf32>
          %max3A = arith.maximumf %add3A_107, %mul3A_110 : vector<16xf32>
          %exp3A = math.exp %max3A : vector<16xf32>
          %get3A_111 = arith.index_cast %scan3A_98 : i32 to index
          %get3A_112 = arith.constant 0 : index
          %get3A_113 = tpu.vector_load %arg8[%get3A_111, %get3A_112] {strides = array<i32>} : memref<125x144xf32, #tpu.memory_space<vmem>>, vector<1x16xf32>,
          %get3A_114 = vector.shape_cast %get3A_113 : vector<1x16xf32> to vector<16xf32>
          %slice3A = vector.extract_strided_slice %exp3A {offsets = [0], sizes = [1], strides = [1]} : vector<16xf32> to vector<1xf32>
          %squeeze3A = vector.extract %slice3A[0] : f32 from vector<1xf32>
          %mul3A_115 = vector.broadcast %squeeze3A : f32 to vector<16xf32>
          %mul3A_116 = arith.mulf %get3A_114, %mul3A_115 : vector<16xf32>
          %swap3A = arith.index_cast %scan3A_98 : i32 to index
          %swap3A_117 = arith.constant 0 : index
          %swap3A_118 = tpu.vector_load %arg8[%swap3A, %swap3A_117] {strides = array<i32>} : memref<125x144xf32, #tpu.memory_space<vmem>>, vector<1x16xf32>,
          %swap3A_119 = vector.shape_cast %swap3A_118 : vector<1x16xf32> to vector<16xf32>
          %swap3A_120 = vector.shape_cast %mul3A_116 : vector<16xf32> to vector<1x16xf32>
          tpu.vector_store %arg8[%swap3A, %swap3A_117], %swap3A_120 {strides = array<i32>} : memref<125x144xf32, #tpu.memory_space<vmem>>, vector<1x16xf32>,
          %get3A_121 = arith.index_cast %scan3A_98 : i32 to index
          %get3A_122 = arith.constant 16 : index
          %get3A_123 = tpu.vector_load %arg8[%get3A_121, %get3A_122] {strides = array<i32>} : memref<125x144xf32, #tpu.memory_space<vmem>>, vector<1x16xf32>,
          %get3A_124 = vector.shape_cast %get3A_123 : vector<1x16xf32> to vector<16xf32>
          %slice3A_125 = vector.extract_strided_slice %exp3A {offsets = [1], sizes = [1], strides = [1]} : vector<16xf32> to vector<1xf32>
          %squeeze3A_126 = vector.extract %slice3A_125[0] : f32 from vector<1xf32>
          %mul3A_127 = vector.broadcast %squeeze3A_126 : f32 to vector<16xf32>
          %mul3A_128 = arith.mulf %get3A_124, %mul3A_127 : vector<16xf32>
          %swap3A_129 = arith.index_cast %scan3A_98 : i32 to index
          %swap3A_130 = arith.constant 16 : index
          %swap3A_131 = tpu.vector_load %arg8[%swap3A_129, %swap3A_130] {strides = array<i32>} : memref<125x144xf32, #tpu.memory_space<vmem>>, vector<1x16xf32>,
          %swap3A_132 = vector.shape_cast %swap3A_131 : vector<1x16xf32> to vector<16xf32>
          %swap3A_133 = vector.shape_cast %mul3A_128 : vector<16xf32> to vector<1x16xf32>
          tpu.vector_store %arg8[%swap3A_129, %swap3A_130], %swap3A_133 {strides = array<i32>} : memref<125x144xf32, #tpu.memory_space<vmem>>, vector<1x16xf32>,
          %get3A_134 = arith.index_cast %scan3A_98 : i32 to index
          %get3A_135 = arith.constant 32 : index
          %get3A_136 = tpu.vector_load %arg8[%get3A_134, %get3A_135] {strides = array<i32>} : memref<125x144xf32, #tpu.memory_space<vmem>>, vector<1x16xf32>,
          %get3A_137 = vector.shape_cast %get3A_136 : vector<1x16xf32> to vector<16xf32>
          %slice3A_138 = vector.extract_strided_slice %exp3A {offsets = [2], sizes = [1], strides = [1]} : vector<16xf32> to vector<1xf32>
          %squeeze3A_139 = vector.extract %slice3A_138[0] : f32 from vector<1xf32>
          %mul3A_140 = vector.broadcast %squeeze3A_139 : f32 to vector<16xf32>
          %mul3A_141 = arith.mulf %get3A_137, %mul3A_140 : vector<16xf32>
          %swap3A_142 = arith.index_cast %scan3A_98 : i32 to index
          %swap3A_143 = arith.constant 32 : index
          %swap3A_144 = tpu.vector_load %arg8[%swap3A_142, %swap3A_143] {strides = array<i32>} : memref<125x144xf32, #tpu.memory_space<vmem>>, vector<1x16xf32>,
          %swap3A_145 = vector.shape_cast %swap3A_144 : vector<1x16xf32> to vector<16xf32>
          %swap3A_146 = vector.shape_cast %mul3A_141 : vector<16xf32> to vector<1x16xf32>
          tpu.vector_store %arg8[%swap3A_142, %swap3A_143], %swap3A_146 {strides = array<i32>} : memref<125x144xf32, #tpu.memory_space<vmem>>, vector<1x16xf32>,
          %get3A_147 = arith.index_cast %scan3A_98 : i32 to index
          %get3A_148 = arith.constant 48 : index
          %get3A_149 = tpu.vector_load %arg8[%get3A_147, %get3A_148] {strides = array<i32>} : memref<125x144xf32, #tpu.memory_space<vmem>>, vector<1x16xf32>,
          %get3A_150 = vector.shape_cast %get3A_149 : vector<1x16xf32> to vector<16xf32>
          %slice3A_151 = vector.extract_strided_slice %exp3A {offsets = [3], sizes = [1], strides = [1]} : vector<16xf32> to vector<1xf32>
          %squeeze3A_152 = vector.extract %slice3A_151[0] : f32 from vector<1xf32>
          %mul3A_153 = vector.broadcast %squeeze3A_152 : f32 to vector<16xf32>
          %mul3A_154 = arith.mulf %get3A_150, %mul3A_153 : vector<16xf32>
          %swap3A_155 = arith.index_cast %scan3A_98 : i32 to index
          %swap3A_156 = arith.constant 48 : index
          %swap3A_157 = tpu.vector_load %arg8[%swap3A_155, %swap3A_156] {strides = array<i32>} : memref<125x144xf32, #tpu.memory_space<vmem>>, vector<1x16xf32>,
          %swap3A_158 = vector.shape_cast %swap3A_157 : vector<1x16xf32> to vector<16xf32>
          %swap3A_159 = vector.shape_cast %mul3A_154 : vector<16xf32> to vector<1x16xf32>
          tpu.vector_store %arg8[%swap3A_155, %swap3A_156], %swap3A_159 {strides = array<i32>} : memref<125x144xf32, #tpu.memory_space<vmem>>, vector<1x16xf32>,
          %get3A_160 = arith.index_cast %scan3A_98 : i32 to index
          %get3A_161 = arith.constant 64 : index
          %get3A_162 = tpu.vector_load %arg8[%get3A_160, %get3A_161] {strides = array<i32>} : memref<125x144xf32, #tpu.memory_space<vmem>>, vector<1x16xf32>,
          %get3A_163 = vector.shape_cast %get3A_162 : vector<1x16xf32> to vector<16xf32>
          %slice3A_164 = vector.extract_strided_slice %exp3A {offsets = [4], sizes = [1], strides = [1]} : vector<16xf32> to vector<1xf32>
          %squeeze3A_165 = vector.extract %slice3A_164[0] : f32 from vector<1xf32>
          %mul3A_166 = vector.broadcast %squeeze3A_165 : f32 to vector<16xf32>
          %mul3A_167 = arith.mulf %get3A_163, %mul3A_166 : vector<16xf32>
          %swap3A_168 = arith.index_cast %scan3A_98 : i32 to index
          %swap3A_169 = arith.constant 64 : index
          %swap3A_170 = tpu.vector_load %arg8[%swap3A_168, %swap3A_169] {strides = array<i32>} : memref<125x144xf32, #tpu.memory_space<vmem>>, vector<1x16xf32>,
          %swap3A_171 = vector.shape_cast %swap3A_170 : vector<1x16xf32> to vector<16xf32>
          %swap3A_172 = vector.shape_cast %mul3A_167 : vector<16xf32> to vector<1x16xf32>
          tpu.vector_store %arg8[%swap3A_168, %swap3A_169], %swap3A_172 {strides = array<i32>} : memref<125x144xf32, #tpu.memory_space<vmem>>, vector<1x16xf32>,
          %get3A_173 = arith.index_cast %scan3A_98 : i32 to index
          %get3A_174 = arith.constant 80 : index
          %get3A_175 = tpu.vector_load %arg8[%get3A_173, %get3A_174] {strides = array<i32>} : memref<125x144xf32, #tpu.memory_space<vmem>>, vector<1x16xf32>,
          %get3A_176 = vector.shape_cast %get3A_175 : vector<1x16xf32> to vector<16xf32>
          %slice3A_177 = vector.extract_strided_slice %exp3A {offsets = [5], sizes = [1], strides = [1]} : vector<16xf32> to vector<1xf32>
          %squeeze3A_178 = vector.extract %slice3A_177[0] : f32 from vector<1xf32>
          %mul3A_179 = vector.broadcast %squeeze3A_178 : f32 to vector<16xf32>
          %mul3A_180 = arith.mulf %get3A_176, %mul3A_179 : vector<16xf32>
          %swap3A_181 = arith.index_cast %scan3A_98 : i32 to index
          %swap3A_182 = arith.constant 80 : index
          %swap3A_183 = tpu.vector_load %arg8[%swap3A_181, %swap3A_182] {strides = array<i32>} : memref<125x144xf32, #tpu.memory_space<vmem>>, vector<1x16xf32>,
          %swap3A_184 = vector.shape_cast %swap3A_183 : vector<1x16xf32> to vector<16xf32>
          %swap3A_185 = vector.shape_cast %mul3A_180 : vector<16xf32> to vector<1x16xf32>
          tpu.vector_store %arg8[%swap3A_181, %swap3A_182], %swap3A_185 {strides = array<i32>} : memref<125x144xf32, #tpu.memory_space<vmem>>, vector<1x16xf32>,
          %get3A_186 = arith.index_cast %scan3A_98 : i32 to index
          %get3A_187 = arith.constant 96 : index
          %get3A_188 = tpu.vector_load %arg8[%get3A_186, %get3A_187] {strides = array<i32>} : memref<125x144xf32, #tpu.memory_space<vmem>>, vector<1x16xf32>,
          %get3A_189 = vector.shape_cast %get3A_188 : vector<1x16xf32> to vector<16xf32>
          %slice3A_190 = vector.extract_strided_slice %exp3A {offsets = [6], sizes = [1], strides = [1]} : vector<16xf32> to vector<1xf32>
          %squeeze3A_191 = vector.extract %slice3A_190[0] : f32 from vector<1xf32>
          %mul3A_192 = vector.broadcast %squeeze3A_191 : f32 to vector<16xf32>
          %mul3A_193 = arith.mulf %get3A_189, %mul3A_192 : vector<16xf32>
          %swap3A_194 = arith.index_cast %scan3A_98 : i32 to index
          %swap3A_195 = arith.constant 96 : index
          %swap3A_196 = tpu.vector_load %arg8[%swap3A_194, %swap3A_195] {strides = array<i32>} : memref<125x144xf32, #tpu.memory_space<vmem>>, vector<1x16xf32>,
          %swap3A_197 = vector.shape_cast %swap3A_196 : vector<1x16xf32> to vector<16xf32>
          %swap3A_198 = vector.shape_cast %mul3A_193 : vector<16xf32> to vector<1x16xf32>
          tpu.vector_store %arg8[%swap3A_194, %swap3A_195], %swap3A_198 {strides = array<i32>} : memref<125x144xf32, #tpu.memory_space<vmem>>, vector<1x16xf32>,
          %get3A_199 = arith.index_cast %scan3A_98 : i32 to index
          %get3A_200 = arith.constant 112 : index
          %get3A_201 = tpu.vector_load %arg8[%get3A_199, %get3A_200] {strides = array<i32>} : memref<125x144xf32, #tpu.memory_space<vmem>>, vector<1x16xf32>,
          %get3A_202 = vector.shape_cast %get3A_201 : vector<1x16xf32> to vector<16xf32>
          %slice3A_203 = vector.extract_strided_slice %exp3A {offsets = [7], sizes = [1], strides = [1]} : vector<16xf32> to vector<1xf32>
          %squeeze3A_204 = vector.extract %slice3A_203[0] : f32 from vector<1xf32>
          %mul3A_205 = vector.broadcast %squeeze3A_204 : f32 to vector<16xf32>
          %mul3A_206 = arith.mulf %get3A_202, %mul3A_205 : vector<16xf32>
          %swap3A_207 = arith.index_cast %scan3A_98 : i32 to index
          %swap3A_208 = arith.constant 112 : index
          %swap3A_209 = tpu.vector_load %arg8[%swap3A_207, %swap3A_208] {strides = array<i32>} : memref<125x144xf32, #tpu.memory_space<vmem>>, vector<1x16xf32>,
          %swap3A_210 = vector.shape_cast %swap3A_209 : vector<1x16xf32> to vector<16xf32>
          %swap3A_211 = vector.shape_cast %mul3A_206 : vector<16xf32> to vector<1x16xf32>
          tpu.vector_store %arg8[%swap3A_207, %swap3A_208], %swap3A_211 {strides = array<i32>} : memref<125x144xf32, #tpu.memory_space<vmem>>, vector<1x16xf32>,
          %swap3A_212 = arith.index_cast %scan3A_98 : i32 to index
          %swap3A_213 = arith.constant 128 : index
          %swap3A_214 = tpu.vector_load %arg8[%swap3A_212, %swap3A_213] {strides = array<i32>} : memref<125x144xf32, #tpu.memory_space<vmem>>, vector<1x16xf32>,
          %swap3A_215 = vector.shape_cast %swap3A_214 : vector<1x16xf32> to vector<16xf32>
          %swap3A_216 = vector.shape_cast %exp3A : vector<16xf32> to vector<1x16xf32>
          tpu.vector_store %arg8[%swap3A_212, %swap3A_213], %swap3A_216 {strides = array<i32>} : memref<125x144xf32, #tpu.memory_space<vmem>>, vector<1x16xf32>,
          %scan3A_217 = arith.constant 0 : i32
          scf.yield %scan3A_217 : i32
        }
        %scan3A_90 = arith.constant 125 : i32
        %dma_start3A_91 = arith.constant 1 : i32
        %dma_start3A_92 = arith.constant 0 : i32
        %dma_start3A_93 = tpu.memref_slice %arg6[%dma_start3A_91, %dma_start3A_92] : memref<2x125xi32, #tpu.memory_space<vmem>> -> memref<1x125xi32, #tpu.memory_space<vmem>>
        %dma_start3A_94 = tpu.memref_squeeze %dma_start3A_93 : memref<1x125xi32, #tpu.memory_space<vmem>> -> memref<125xi32, #tpu.memory_space<vmem>>
        %dma_start3A_95 = arith.constant 0 : i32
        %dma_start3A_96 = arith.constant 0 : i32
        %dma_start3A_97 = tpu.memref_slice %arg12[%dma_start3A_95, %dma_start3A_96] : memref<10000x144xf32, #tpu.memory_space<vmem_shared>> -> memref<10000x144xf32, #tpu.memory_space<vmem_shared>>
        tpu.enqueue_indirect_dma source(%arg8 : memref<125x144xf32, #tpu.memory_space<vmem>>) target(%dma_start3A_97 : memref<10000x144xf32, #tpu.memory_space<vmem_shared>>) offsets(%dma_start3A_94 : memref<125xi32, #tpu.memory_space<vmem>>) semaphore(%arg15 : memref<!tpu.dma_semaphore, #tpu.memory_space<semaphore_mem>>) {add = true}
      } else {
      }
      %and3A_52 = arith.constant 1 : i32
      %and3A_53 = arith.andi %scan3A_47, %and3A_52 : i32
      %eq3A_54 = arith.constant 1 : i32
      %eq3A_55 = arith.cmpi eq, %and3A_53, %eq3A_54 : i32
      %convert_element_type3A_56 = arith.extui %eq3A_55 : i1 to i32
      %cond3A_57 = arith.constant 0 : i32
      %cond3A_58 = arith.cmpi ne, %convert_element_type3A_56, %cond3A_57 : i32
      scf.if %cond3A_58 {
        %ge3A = arith.constant 1 : i32
        %ge3A_60 = arith.cmpi sge, %scan3A_47, %ge3A : i32
        %convert_element_type3A_61 = arith.extui %ge3A_60 : i1 to i32
        %cond3A_62 = arith.constant 0 : i32
        %cond3A_63 = arith.cmpi ne, %convert_element_type3A_61, %cond3A_62 : i32
        scf.if %cond3A_63 {
          %dma_wait3A_98 = arith.constant 1 : i32
          %dma_wait3A_99 = arith.constant 0 : i32
          %dma_wait3A_100 = tpu.memref_slice %arg6[%dma_wait3A_98, %dma_wait3A_99] : memref<2x125xi32, #tpu.memory_space<vmem>> -> memref<1x125xi32, #tpu.memory_space<vmem>>
          %dma_wait3A_101 = tpu.memref_squeeze %dma_wait3A_100 : memref<1x125xi32, #tpu.memory_space<vmem>> -> memref<125xi32, #tpu.memory_space<vmem>>
          %dma_wait3A_102 = arith.constant 0 : i32
          %dma_wait3A_103 = arith.constant 0 : i32
          %dma_wait3A_104 = tpu.memref_slice %arg12[%dma_wait3A_102, %dma_wait3A_103] : memref<10000x144xf32, #tpu.memory_space<vmem_shared>> -> memref<10000x144xf32, #tpu.memory_space<vmem_shared>>
          tpu.wait_indirect_dma semaphore(%arg15 : memref<!tpu.dma_semaphore, #tpu.memory_space<semaphore_mem>>) src(%arg8 : memref<125x144xf32, #tpu.memory_space<vmem>>) dst(%dma_wait3A_104 : memref<10000x144xf32, #tpu.memory_space<vmem_shared>>)
        } else {
        }
        %add3A_64 = arith.constant 1 : i32
        %add3A_65 = arith.addi %scan3A_47, %add3A_64 : i32
        %lt3A = arith.constant 80 : i32
        %lt3A_66 = arith.cmpi slt, %add3A_65, %lt3A : i32
        %convert_element_type3A_67 = arith.extui %lt3A_66 : i1 to i32
        %cond3A_68 = arith.constant 0 : i32
        %cond3A_69 = arith.cmpi ne, %convert_element_type3A_67, %cond3A_68 : i32
        scf.if %cond3A_69 {
          %add3A_98 = arith.addi %mul3A_19, %scan3A_47 : i32
          %add3A_99 = arith.constant 1 : i32
          %add3A_100 = arith.addi %add3A_98, %add3A_99 : i32
          "tpu.region"() ({
            %run_scoped3A = tpu.sem_alloc : memref<!tpu.dma_semaphore, #tpu.memory_space<semaphore_mem>>
            %dma_start3A_115 = arith.constant 0 : i32
            %dma_start3A_116 = arith.constant 0 : i32
            %dma_start3A_117 = tpu.memref_slice %arg4[%add3A_100, %dma_start3A_115, %dma_start3A_116] : memref<2560x2x125xi32, #tpu.memory_space<hbm>> -> memref<1x2x125xi32, #tpu.memory_space<hbm>>
            %dma_start3A_118 = tpu.memref_squeeze %dma_start3A_117 : memref<1x2x125xi32, #tpu.memory_space<hbm>> -> memref<2x125xi32, #tpu.memory_space<hbm>>
            %dma_start3A_119 = arith.constant 0 : i32
            %dma_start3A_120 = arith.constant 0 : i32
            %dma_start3A_121 = tpu.memref_slice %arg4[%add3A_100, %dma_start3A_119, %dma_start3A_120] : memref<2560x2x125xi32, #tpu.memory_space<hbm>> -> memref<1x2x125xi32, #tpu.memory_space<hbm>>
            %dma_start3A_122 = tpu.memref_squeeze %dma_start3A_121 : memref<1x2x125xi32, #tpu.memory_space<hbm>> -> memref<2x125xi32, #tpu.memory_space<hbm>>
            tpu.enqueue_dma source(%dma_start3A_122 : memref<2x125xi32, #tpu.memory_space<hbm>>) target(%arg6 : memref<2x125xi32, #tpu.memory_space<vmem>>) target_semaphore(%run_scoped3A : memref<!tpu.dma_semaphore, #tpu.memory_space<semaphore_mem>>)
            %dma_wait3A_123 = arith.constant 0 : i32
            %dma_wait3A_124 = arith.constant 0 : i32
            %dma_wait3A_125 = tpu.memref_slice %arg4[%add3A_100, %dma_wait3A_123, %dma_wait3A_124] : memref<2560x2x125xi32, #tpu.memory_space<hbm>> -> memref<1x2x125xi32, #tpu.memory_space<hbm>>
            %dma_wait3A_126 = tpu.memref_squeeze %dma_wait3A_125 : memref<1x2x125xi32, #tpu.memory_space<hbm>> -> memref<2x125xi32, #tpu.memory_space<hbm>>
            %dma_wait3A_127 = arith.constant 0 : i32
            %dma_wait3A_128 = arith.constant 0 : i32
            %dma_wait3A_129 = tpu.memref_slice %arg4[%add3A_100, %dma_wait3A_127, %dma_wait3A_128] : memref<2560x2x125xi32, #tpu.memory_space<hbm>> -> memref<1x2x125xi32, #tpu.memory_space<hbm>>
            %dma_wait3A_130 = tpu.memref_squeeze %dma_wait3A_129 : memref<1x2x125xi32, #tpu.memory_space<hbm>> -> memref<2x125xi32, #tpu.memory_space<hbm>>
            tpu.wait_dma2 semaphore(%run_scoped3A : memref<!tpu.dma_semaphore, #tpu.memory_space<semaphore_mem>>) src(%dma_wait3A_130 : memref<2x125xi32, #tpu.memory_space<hbm>>) dst(%arg6 : memref<2x125xi32, #tpu.memory_space<vmem>>)
            tpu.yield
          }) : () -> ()
          %dma_start3A_101 = arith.constant 0 : i32
          %dma_start3A_102 = arith.constant 0 : i32
          %dma_start3A_103 = tpu.memref_slice %arg6[%dma_start3A_101, %dma_start3A_102] : memref<2x125xi32, #tpu.memory_space<vmem>> -> memref<1x125xi32, #tpu.memory_space<vmem>>
          %dma_start3A_104 = tpu.memref_squeeze %dma_start3A_103 : memref<1x125xi32, #tpu.memory_space<vmem>> -> memref<125xi32, #tpu.memory_space<vmem>>
          %dma_start3A_105 = arith.constant 0 : i32
          %dma_start3A_106 = arith.constant 0 : i32
          %dma_start3A_107 = tpu.memref_slice %arg2[%dma_start3A_105, %dma_start3A_106] : memref<10000x144xf32, #tpu.memory_space<hbm>> -> memref<10000x144xf32, #tpu.memory_space<hbm>>
          tpu.enqueue_indirect_dma source(%dma_start3A_107 : memref<10000x144xf32, #tpu.memory_space<hbm>>) target(%arg8 : memref<125x144xf32, #tpu.memory_space<vmem>>) offsets(%dma_start3A_104 : memref<125xi32, #tpu.memory_space<vmem>>) semaphore(%arg13 : memref<!tpu.dma_semaphore, #tpu.memory_space<semaphore_mem>>)
          %dma_start3A_108 = arith.constant 1 : i32
          %dma_start3A_109 = arith.constant 0 : i32
          %dma_start3A_110 = tpu.memref_slice %arg6[%dma_start3A_108, %dma_start3A_109] : memref<2x125xi32, #tpu.memory_space<vmem>> -> memref<1x125xi32, #tpu.memory_space<vmem>>
          %dma_start3A_111 = tpu.memref_squeeze %dma_start3A_110 : memref<1x125xi32, #tpu.memory_space<vmem>> -> memref<125xi32, #tpu.memory_space<vmem>>
          %dma_start3A_112 = arith.constant 0 : i32
          %dma_start3A_113 = arith.constant 0 : i32
          %dma_start3A_114 = tpu.memref_slice %arg3[%dma_start3A_112, %dma_start3A_113] : memref<10000x16xf32, #tpu.memory_space<hbm>> -> memref<10000x16xf32, #tpu.memory_space<hbm>>
          tpu.enqueue_indirect_dma source(%dma_start3A_114 : memref<10000x16xf32, #tpu.memory_space<hbm>>) target(%arg10 : memref<125x16xf32, #tpu.memory_space<vmem>>) offsets(%dma_start3A_111 : memref<125xi32, #tpu.memory_space<vmem>>) semaphore(%arg13 : memref<!tpu.dma_semaphore, #tpu.memory_space<semaphore_mem>>)
        } else {
        }
        %dma_wait3A_70 = arith.constant 0 : i32
        %dma_wait3A_71 = arith.constant 0 : i32
        %dma_wait3A_72 = tpu.memref_slice %arg7[%dma_wait3A_70, %dma_wait3A_71] : memref<2x125xi32, #tpu.memory_space<vmem>> -> memref<1x125xi32, #tpu.memory_space<vmem>>
        %dma_wait3A_73 = tpu.memref_squeeze %dma_wait3A_72 : memref<1x125xi32, #tpu.memory_space<vmem>> -> memref<125xi32, #tpu.memory_space<vmem>>
        %dma_wait3A_74 = arith.constant 0 : i32
        %dma_wait3A_75 = arith.constant 0 : i32
        %dma_wait3A_76 = tpu.memref_slice %arg2[%dma_wait3A_74, %dma_wait3A_75] : memref<10000x144xf32, #tpu.memory_space<hbm>> -> memref<10000x144xf32, #tpu.memory_space<hbm>>
        tpu.wait_indirect_dma semaphore(%arg14 : memref<!tpu.dma_semaphore, #tpu.memory_space<semaphore_mem>>) src(%dma_wait3A_76 : memref<10000x144xf32, #tpu.memory_space<hbm>>) dst(%arg9 : memref<125x144xf32, #tpu.memory_space<vmem>>)
        %dma_wait3A_77 = arith.constant 1 : i32
        %dma_wait3A_78 = arith.constant 0 : i32
        %dma_wait3A_79 = tpu.memref_slice %arg7[%dma_wait3A_77, %dma_wait3A_78] : memref<2x125xi32, #tpu.memory_space<vmem>> -> memref<1x125xi32, #tpu.memory_space<vmem>>
        %dma_wait3A_80 = tpu.memref_squeeze %dma_wait3A_79 : memref<1x125xi32, #tpu.memory_space<vmem>> -> memref<125xi32, #tpu.memory_space<vmem>>
        %dma_wait3A_81 = arith.constant 0 : i32
        %dma_wait3A_82 = arith.constant 0 : i32
        %dma_wait3A_83 = tpu.memref_slice %arg3[%dma_wait3A_81, %dma_wait3A_82] : memref<10000x16xf32, #tpu.memory_space<hbm>> -> memref<10000x16xf32, #tpu.memory_space<hbm>>
        tpu.wait_indirect_dma semaphore(%arg14 : memref<!tpu.dma_semaphore, #tpu.memory_space<semaphore_mem>>) src(%dma_wait3A_83 : memref<10000x16xf32, #tpu.memory_space<hbm>>) dst(%arg11 : memref<125x16xf32, #tpu.memory_space<vmem>>)
        %scan3A_84 = arith.constant 0 : i32
        %scan3A_85 = arith.constant 0 : i32
        %scan3A_86 = arith.constant 125 : i32
        %scan3A_87 = arith.addi %scan3A_85, %scan3A_86 : i32
        %scan3A_88 = arith.constant 1 : i32
        %scan3A_89 = scf.for %scan3A_98 = %scan3A_85 to %scan3A_87 step %scan3A_88 iter_args(%scan3A_99 = %scan3A_84) -> (i32)  : i32 {
          %get3A = arith.index_cast %scan3A_98 : i32 to index
          %get3A_100 = arith.constant 128 : index
          %get3A_101 = tpu.vector_load %arg9[%get3A, %get3A_100] {strides = array<i32>} : memref<125x144xf32, #tpu.memory_space<vmem>>, vector<1x16xf32>,
          %get3A_102 = vector.shape_cast %get3A_101 : vector<1x16xf32> to vector<16xf32>
          %get3A_103 = arith.index_cast %scan3A_98 : i32 to index
          %get3A_104 = arith.constant 0 : index
          %get3A_105 = tpu.vector_load %arg11[%get3A_103, %get3A_104] {strides = array<i32>} : memref<125x16xf32, #tpu.memory_space<vmem>>, vector<1x16xf32>,
          %get3A_106 = vector.shape_cast %get3A_105 : vector<1x16xf32> to vector<16xf32>
          %add3A_107 = arith.addf %get3A_102, %get3A_106 : vector<16xf32>
          %mul3A_108 = arith.constant 2.000000e-01 : f32
          %mul3A_109 = vector.broadcast %mul3A_108 : f32 to vector<16xf32>
          %mul3A_110 = arith.mulf %mul3A_109, %add3A_107 : vector<16xf32>
          %max3A = arith.maximumf %add3A_107, %mul3A_110 : vector<16xf32>
          %exp3A = math.exp %max3A : vector<16xf32>
          %get3A_111 = arith.index_cast %scan3A_98 : i32 to index
          %get3A_112 = arith.constant 0 : index
          %get3A_113 = tpu.vector_load %arg9[%get3A_111, %get3A_112] {strides = array<i32>} : memref<125x144xf32, #tpu.memory_space<vmem>>, vector<1x16xf32>,
          %get3A_114 = vector.shape_cast %get3A_113 : vector<1x16xf32> to vector<16xf32>
          %slice3A = vector.extract_strided_slice %exp3A {offsets = [0], sizes = [1], strides = [1]} : vector<16xf32> to vector<1xf32>
          %squeeze3A = vector.extract %slice3A[0] : f32 from vector<1xf32>
          %mul3A_115 = vector.broadcast %squeeze3A : f32 to vector<16xf32>
          %mul3A_116 = arith.mulf %get3A_114, %mul3A_115 : vector<16xf32>
          %swap3A = arith.index_cast %scan3A_98 : i32 to index
          %swap3A_117 = arith.constant 0 : index
          %swap3A_118 = tpu.vector_load %arg9[%swap3A, %swap3A_117] {strides = array<i32>} : memref<125x144xf32, #tpu.memory_space<vmem>>, vector<1x16xf32>,
          %swap3A_119 = vector.shape_cast %swap3A_118 : vector<1x16xf32> to vector<16xf32>
          %swap3A_120 = vector.shape_cast %mul3A_116 : vector<16xf32> to vector<1x16xf32>
          tpu.vector_store %arg9[%swap3A, %swap3A_117], %swap3A_120 {strides = array<i32>} : memref<125x144xf32, #tpu.memory_space<vmem>>, vector<1x16xf32>,
          %get3A_121 = arith.index_cast %scan3A_98 : i32 to index
          %get3A_122 = arith.constant 16 : index
          %get3A_123 = tpu.vector_load %arg9[%get3A_121, %get3A_122] {strides = array<i32>} : memref<125x144xf32, #tpu.memory_space<vmem>>, vector<1x16xf32>,
          %get3A_124 = vector.shape_cast %get3A_123 : vector<1x16xf32> to vector<16xf32>
          %slice3A_125 = vector.extract_strided_slice %exp3A {offsets = [1], sizes = [1], strides = [1]} : vector<16xf32> to vector<1xf32>
          %squeeze3A_126 = vector.extract %slice3A_125[0] : f32 from vector<1xf32>
          %mul3A_127 = vector.broadcast %squeeze3A_126 : f32 to vector<16xf32>
          %mul3A_128 = arith.mulf %get3A_124, %mul3A_127 : vector<16xf32>
          %swap3A_129 = arith.index_cast %scan3A_98 : i32 to index
          %swap3A_130 = arith.constant 16 : index
          %swap3A_131 = tpu.vector_load %arg9[%swap3A_129, %swap3A_130] {strides = array<i32>} : memref<125x144xf32, #tpu.memory_space<vmem>>, vector<1x16xf32>,
          %swap3A_132 = vector.shape_cast %swap3A_131 : vector<1x16xf32> to vector<16xf32>
          %swap3A_133 = vector.shape_cast %mul3A_128 : vector<16xf32> to vector<1x16xf32>
          tpu.vector_store %arg9[%swap3A_129, %swap3A_130], %swap3A_133 {strides = array<i32>} : memref<125x144xf32, #tpu.memory_space<vmem>>, vector<1x16xf32>,
          %get3A_134 = arith.index_cast %scan3A_98 : i32 to index
          %get3A_135 = arith.constant 32 : index
          %get3A_136 = tpu.vector_load %arg9[%get3A_134, %get3A_135] {strides = array<i32>} : memref<125x144xf32, #tpu.memory_space<vmem>>, vector<1x16xf32>,
          %get3A_137 = vector.shape_cast %get3A_136 : vector<1x16xf32> to vector<16xf32>
          %slice3A_138 = vector.extract_strided_slice %exp3A {offsets = [2], sizes = [1], strides = [1]} : vector<16xf32> to vector<1xf32>
          %squeeze3A_139 = vector.extract %slice3A_138[0] : f32 from vector<1xf32>
          %mul3A_140 = vector.broadcast %squeeze3A_139 : f32 to vector<16xf32>
          %mul3A_141 = arith.mulf %get3A_137, %mul3A_140 : vector<16xf32>
          %swap3A_142 = arith.index_cast %scan3A_98 : i32 to index
          %swap3A_143 = arith.constant 32 : index
          %swap3A_144 = tpu.vector_load %arg9[%swap3A_142, %swap3A_143] {strides = array<i32>} : memref<125x144xf32, #tpu.memory_space<vmem>>, vector<1x16xf32>,
          %swap3A_145 = vector.shape_cast %swap3A_144 : vector<1x16xf32> to vector<16xf32>
          %swap3A_146 = vector.shape_cast %mul3A_141 : vector<16xf32> to vector<1x16xf32>
          tpu.vector_store %arg9[%swap3A_142, %swap3A_143], %swap3A_146 {strides = array<i32>} : memref<125x144xf32, #tpu.memory_space<vmem>>, vector<1x16xf32>,
          %get3A_147 = arith.index_cast %scan3A_98 : i32 to index
          %get3A_148 = arith.constant 48 : index
          %get3A_149 = tpu.vector_load %arg9[%get3A_147, %get3A_148] {strides = array<i32>} : memref<125x144xf32, #tpu.memory_space<vmem>>, vector<1x16xf32>,
          %get3A_150 = vector.shape_cast %get3A_149 : vector<1x16xf32> to vector<16xf32>
          %slice3A_151 = vector.extract_strided_slice %exp3A {offsets = [3], sizes = [1], strides = [1]} : vector<16xf32> to vector<1xf32>
          %squeeze3A_152 = vector.extract %slice3A_151[0] : f32 from vector<1xf32>
          %mul3A_153 = vector.broadcast %squeeze3A_152 : f32 to vector<16xf32>
          %mul3A_154 = arith.mulf %get3A_150, %mul3A_153 : vector<16xf32>
          %swap3A_155 = arith.index_cast %scan3A_98 : i32 to index
          %swap3A_156 = arith.constant 48 : index
          %swap3A_157 = tpu.vector_load %arg9[%swap3A_155, %swap3A_156] {strides = array<i32>} : memref<125x144xf32, #tpu.memory_space<vmem>>, vector<1x16xf32>,
          %swap3A_158 = vector.shape_cast %swap3A_157 : vector<1x16xf32> to vector<16xf32>
          %swap3A_159 = vector.shape_cast %mul3A_154 : vector<16xf32> to vector<1x16xf32>
          tpu.vector_store %arg9[%swap3A_155, %swap3A_156], %swap3A_159 {strides = array<i32>} : memref<125x144xf32, #tpu.memory_space<vmem>>, vector<1x16xf32>,
          %get3A_160 = arith.index_cast %scan3A_98 : i32 to index
          %get3A_161 = arith.constant 64 : index
          %get3A_162 = tpu.vector_load %arg9[%get3A_160, %get3A_161] {strides = array<i32>} : memref<125x144xf32, #tpu.memory_space<vmem>>, vector<1x16xf32>,
          %get3A_163 = vector.shape_cast %get3A_162 : vector<1x16xf32> to vector<16xf32>
          %slice3A_164 = vector.extract_strided_slice %exp3A {offsets = [4], sizes = [1], strides = [1]} : vector<16xf32> to vector<1xf32>
          %squeeze3A_165 = vector.extract %slice3A_164[0] : f32 from vector<1xf32>
          %mul3A_166 = vector.broadcast %squeeze3A_165 : f32 to vector<16xf32>
          %mul3A_167 = arith.mulf %get3A_163, %mul3A_166 : vector<16xf32>
          %swap3A_168 = arith.index_cast %scan3A_98 : i32 to index
          %swap3A_169 = arith.constant 64 : index
          %swap3A_170 = tpu.vector_load %arg9[%swap3A_168, %swap3A_169] {strides = array<i32>} : memref<125x144xf32, #tpu.memory_space<vmem>>, vector<1x16xf32>,
          %swap3A_171 = vector.shape_cast %swap3A_170 : vector<1x16xf32> to vector<16xf32>
          %swap3A_172 = vector.shape_cast %mul3A_167 : vector<16xf32> to vector<1x16xf32>
          tpu.vector_store %arg9[%swap3A_168, %swap3A_169], %swap3A_172 {strides = array<i32>} : memref<125x144xf32, #tpu.memory_space<vmem>>, vector<1x16xf32>,
          %get3A_173 = arith.index_cast %scan3A_98 : i32 to index
          %get3A_174 = arith.constant 80 : index
          %get3A_175 = tpu.vector_load %arg9[%get3A_173, %get3A_174] {strides = array<i32>} : memref<125x144xf32, #tpu.memory_space<vmem>>, vector<1x16xf32>,
          %get3A_176 = vector.shape_cast %get3A_175 : vector<1x16xf32> to vector<16xf32>
          %slice3A_177 = vector.extract_strided_slice %exp3A {offsets = [5], sizes = [1], strides = [1]} : vector<16xf32> to vector<1xf32>
          %squeeze3A_178 = vector.extract %slice3A_177[0] : f32 from vector<1xf32>
          %mul3A_179 = vector.broadcast %squeeze3A_178 : f32 to vector<16xf32>
          %mul3A_180 = arith.mulf %get3A_176, %mul3A_179 : vector<16xf32>
          %swap3A_181 = arith.index_cast %scan3A_98 : i32 to index
          %swap3A_182 = arith.constant 80 : index
          %swap3A_183 = tpu.vector_load %arg9[%swap3A_181, %swap3A_182] {strides = array<i32>} : memref<125x144xf32, #tpu.memory_space<vmem>>, vector<1x16xf32>,
          %swap3A_184 = vector.shape_cast %swap3A_183 : vector<1x16xf32> to vector<16xf32>
          %swap3A_185 = vector.shape_cast %mul3A_180 : vector<16xf32> to vector<1x16xf32>
          tpu.vector_store %arg9[%swap3A_181, %swap3A_182], %swap3A_185 {strides = array<i32>} : memref<125x144xf32, #tpu.memory_space<vmem>>, vector<1x16xf32>,
          %get3A_186 = arith.index_cast %scan3A_98 : i32 to index
          %get3A_187 = arith.constant 96 : index
          %get3A_188 = tpu.vector_load %arg9[%get3A_186, %get3A_187] {strides = array<i32>} : memref<125x144xf32, #tpu.memory_space<vmem>>, vector<1x16xf32>,
          %get3A_189 = vector.shape_cast %get3A_188 : vector<1x16xf32> to vector<16xf32>
          %slice3A_190 = vector.extract_strided_slice %exp3A {offsets = [6], sizes = [1], strides = [1]} : vector<16xf32> to vector<1xf32>
          %squeeze3A_191 = vector.extract %slice3A_190[0] : f32 from vector<1xf32>
          %mul3A_192 = vector.broadcast %squeeze3A_191 : f32 to vector<16xf32>
          %mul3A_193 = arith.mulf %get3A_189, %mul3A_192 : vector<16xf32>
          %swap3A_194 = arith.index_cast %scan3A_98 : i32 to index
          %swap3A_195 = arith.constant 96 : index
          %swap3A_196 = tpu.vector_load %arg9[%swap3A_194, %swap3A_195] {strides = array<i32>} : memref<125x144xf32, #tpu.memory_space<vmem>>, vector<1x16xf32>,
          %swap3A_197 = vector.shape_cast %swap3A_196 : vector<1x16xf32> to vector<16xf32>
          %swap3A_198 = vector.shape_cast %mul3A_193 : vector<16xf32> to vector<1x16xf32>
          tpu.vector_store %arg9[%swap3A_194, %swap3A_195], %swap3A_198 {strides = array<i32>} : memref<125x144xf32, #tpu.memory_space<vmem>>, vector<1x16xf32>,
          %get3A_199 = arith.index_cast %scan3A_98 : i32 to index
          %get3A_200 = arith.constant 112 : index
          %get3A_201 = tpu.vector_load %arg9[%get3A_199, %get3A_200] {strides = array<i32>} : memref<125x144xf32, #tpu.memory_space<vmem>>, vector<1x16xf32>,
          %get3A_202 = vector.shape_cast %get3A_201 : vector<1x16xf32> to vector<16xf32>
          %slice3A_203 = vector.extract_strided_slice %exp3A {offsets = [7], sizes = [1], strides = [1]} : vector<16xf32> to vector<1xf32>
          %squeeze3A_204 = vector.extract %slice3A_203[0] : f32 from vector<1xf32>
          %mul3A_205 = vector.broadcast %squeeze3A_204 : f32 to vector<16xf32>
          %mul3A_206 = arith.mulf %get3A_202, %mul3A_205 : vector<16xf32>
          %swap3A_207 = arith.index_cast %scan3A_98 : i32 to index
          %swap3A_208 = arith.constant 112 : index
          %swap3A_209 = tpu.vector_load %arg9[%swap3A_207, %swap3A_208] {strides = array<i32>} : memref<125x144xf32, #tpu.memory_space<vmem>>, vector<1x16xf32>,
          %swap3A_210 = vector.shape_cast %swap3A_209 : vector<1x16xf32> to vector<16xf32>
          %swap3A_211 = vector.shape_cast %mul3A_206 : vector<16xf32> to vector<1x16xf32>
          tpu.vector_store %arg9[%swap3A_207, %swap3A_208], %swap3A_211 {strides = array<i32>} : memref<125x144xf32, #tpu.memory_space<vmem>>, vector<1x16xf32>,
          %swap3A_212 = arith.index_cast %scan3A_98 : i32 to index
          %swap3A_213 = arith.constant 128 : index
          %swap3A_214 = tpu.vector_load %arg9[%swap3A_212, %swap3A_213] {strides = array<i32>} : memref<125x144xf32, #tpu.memory_space<vmem>>, vector<1x16xf32>,
          %swap3A_215 = vector.shape_cast %swap3A_214 : vector<1x16xf32> to vector<16xf32>
          %swap3A_216 = vector.shape_cast %exp3A : vector<16xf32> to vector<1x16xf32>
          tpu.vector_store %arg9[%swap3A_212, %swap3A_213], %swap3A_216 {strides = array<i32>} : memref<125x144xf32, #tpu.memory_space<vmem>>, vector<1x16xf32>,
          %scan3A_217 = arith.constant 0 : i32
          scf.yield %scan3A_217 : i32
        }
        %scan3A_90 = arith.constant 125 : i32
        %dma_start3A_91 = arith.constant 1 : i32
        %dma_start3A_92 = arith.constant 0 : i32
        %dma_start3A_93 = tpu.memref_slice %arg7[%dma_start3A_91, %dma_start3A_92] : memref<2x125xi32, #tpu.memory_space<vmem>> -> memref<1x125xi32, #tpu.memory_space<vmem>>
        %dma_start3A_94 = tpu.memref_squeeze %dma_start3A_93 : memref<1x125xi32, #tpu.memory_space<vmem>> -> memref<125xi32, #tpu.memory_space<vmem>>
        %dma_start3A_95 = arith.constant 0 : i32
        %dma_start3A_96 = arith.constant 0 : i32
        %dma_start3A_97 = tpu.memref_slice %arg12[%dma_start3A_95, %dma_start3A_96] : memref<10000x144xf32, #tpu.memory_space<vmem_shared>> -> memref<10000x144xf32, #tpu.memory_space<vmem_shared>>
        tpu.enqueue_indirect_dma source(%arg9 : memref<125x144xf32, #tpu.memory_space<vmem>>) target(%dma_start3A_97 : memref<10000x144xf32, #tpu.memory_space<vmem_shared>>) offsets(%dma_start3A_94 : memref<125xi32, #tpu.memory_space<vmem>>) semaphore(%arg16 : memref<!tpu.dma_semaphore, #tpu.memory_space<semaphore_mem>>) {add = true}
      } else {
      }
      %scan3A_59 = arith.constant 0 : i32
      scf.yield %scan3A_59 : i32
    }
    %scan3A_39 = arith.constant 80 : i32
    %dma_wait3A = arith.constant 1 : i32
    %dma_wait3A_40 = arith.constant 0 : i32
    %dma_wait3A_41 = tpu.memref_slice %arg7[%dma_wait3A, %dma_wait3A_40] : memref<2x125xi32, #tpu.memory_space<vmem>> -> memref<1x125xi32, #tpu.memory_space<vmem>>
    %dma_wait3A_42 = tpu.memref_squeeze %dma_wait3A_41 : memref<1x125xi32, #tpu.memory_space<vmem>> -> memref<125xi32, #tpu.memory_space<vmem>>
    %dma_wait3A_43 = arith.constant 0 : i32
    %dma_wait3A_44 = arith.constant 0 : i32
    %dma_wait3A_45 = tpu.memref_slice %arg12[%dma_wait3A_43, %dma_wait3A_44] : memref<10000x144xf32, #tpu.memory_space<vmem_shared>> -> memref<10000x144xf32, #tpu.memory_space<vmem_shared>>
    tpu.wait_indirect_dma semaphore(%arg16 : memref<!tpu.dma_semaphore, #tpu.memory_space<semaphore_mem>>) src(%arg9 : memref<125x144xf32, #tpu.memory_space<vmem>>) dst(%dma_wait3A_45 : memref<10000x144xf32, #tpu.memory_space<vmem_shared>>)
    %barrier3A_46 = arith.constant 0 : index
    tpu.barrier barrier_id(%barrier3A_46)
    "tpu.region"() ({
      %run_scoped3A = tpu.sem_alloc : memref<!tpu.dma_semaphore, #tpu.memory_space<semaphore_mem>>
      %dma_start3A_47 = arith.constant 0 : i32
      %dma_start3A_48 = tpu.memref_slice %arg5[%arg0, %min3A_10, %dma_start3A_47] : memref<2x10000x144xf32, #tpu.memory_space<hbm>> -> memref<1x632x144xf32, #tpu.memory_space<hbm>>
      %dma_start3A_49 = tpu.memref_squeeze %dma_start3A_48 : memref<1x632x144xf32, #tpu.memory_space<hbm>> -> memref<632x144xf32, #tpu.memory_space<hbm>>
      %dma_start3A_50 = arith.constant 0 : i32
      %dma_start3A_51 = tpu.memref_slice %arg12[%min3A_10, %dma_start3A_50] : memref<10000x144xf32, #tpu.memory_space<vmem_shared>> -> memref<632x144xf32, #tpu.memory_space<vmem_shared>>
      tpu.enqueue_dma source(%dma_start3A_51 : memref<632x144xf32, #tpu.memory_space<vmem_shared>>) target(%dma_start3A_49 : memref<632x144xf32, #tpu.memory_space<hbm>>) target_semaphore(%run_scoped3A : memref<!tpu.dma_semaphore, #tpu.memory_space<semaphore_mem>>)
      %dma_wait3A_52 = arith.constant 0 : i32
      %dma_wait3A_53 = tpu.memref_slice %arg5[%arg0, %min3A_10, %dma_wait3A_52] : memref<2x10000x144xf32, #tpu.memory_space<hbm>> -> memref<1x632x144xf32, #tpu.memory_space<hbm>>
      %dma_wait3A_54 = tpu.memref_squeeze %dma_wait3A_53 : memref<1x632x144xf32, #tpu.memory_space<hbm>> -> memref<632x144xf32, #tpu.memory_space<hbm>>
      %dma_wait3A_55 = arith.constant 0 : i32
      %dma_wait3A_56 = tpu.memref_slice %arg12[%min3A_10, %dma_wait3A_55] : memref<10000x144xf32, #tpu.memory_space<vmem_shared>> -> memref<632x144xf32, #tpu.memory_space<vmem_shared>>
      tpu.wait_dma2 semaphore(%run_scoped3A : memref<!tpu.dma_semaphore, #tpu.memory_space<semaphore_mem>>) src(%dma_wait3A_56 : memref<632x144xf32, #tpu.memory_space<vmem_shared>>) dst(%dma_wait3A_54 : memref<632x144xf32, #tpu.memory_space<hbm>>)
      tpu.yield
    }) : () -> ()
    return
  }
}

module attributes {stable_mosaic.version = 14 : i64} {
  func.func @_dense_a_body(%arg0: i32, %arg1: memref<1000x128xf32, #tpu.memory_space<vmem>>, %arg2: memref<128x144xf32, #tpu.memory_space<vmem>>, %arg3: memref<128x16xf32, #tpu.memory_space<vmem>>, %arg4: memref<1000x144xf32, #tpu.memory_space<vmem>>, %arg5: memref<1000x16xf32, #tpu.memory_space<vmem>>) attributes {dimension_semantics = [#tpu.dimension_semantics<arbitrary>], iteration_bounds = array<i64: 10>, scalar_prefetch = 0 : i64, scratch_operands = 0 : i64, tpu.core_type = #tpu.core_type<tc>, window_params = [{transform_indices = @transform_0, window_bounds = array<i64: 1000, 128>}, {pipeline_mode = #tpu.pipeline_mode<synchronous>, transform_indices = @transform_1, window_bounds = array<i64: 128, 144>}, {pipeline_mode = #tpu.pipeline_mode<synchronous>, transform_indices = @transform_2, window_bounds = array<i64: 128, 16>}, {transform_indices = @transform_3, window_bounds = array<i64: 1000, 144>}, {transform_indices = @transform_4, window_bounds = array<i64: 1000, 16>}]} {
    %get3A = arith.constant 0 : index
    %get3A_0 = arith.constant 0 : index
    %get3A_1 = vector.load %arg1[%get3A, %get3A_0] : memref<1000x128xf32, #tpu.memory_space<vmem>>, vector<1000x128xf32>
    %get3A_2 = arith.constant 0 : index
    %get3A_3 = arith.constant 0 : index
    %get3A_4 = vector.load %arg2[%get3A_2, %get3A_3] : memref<128x144xf32, #tpu.memory_space<vmem>>, vector<128x144xf32>
    %dot_general3A = arith.constant dense<0.000000e+00> : vector<1000x144xf32>
    %dot_general3A_5 = tpu.matmul %get3A_1, %get3A_4, %dot_general3A {dimension_numbers = #tpu.dot_dimension_numbers<[1], [0], [0], [1], [0, 0, 1, 1], [], []>, transpose_lhs_hint = false} : vector<1000x128xf32>, vector<128x144xf32>, vector<1000x144xf32> -> vector<1000x144xf32>
    %swap3A = arith.constant 0 : index
    %swap3A_6 = arith.constant 0 : index
    %swap3A_7 = vector.load %arg4[%swap3A, %swap3A_6] : memref<1000x144xf32, #tpu.memory_space<vmem>>, vector<1000x144xf32>
    tpu.vector_store %arg4[%swap3A, %swap3A_6], %dot_general3A_5 {strides = array<i32>} : memref<1000x144xf32, #tpu.memory_space<vmem>>, vector<1000x144xf32>,
    %get3A_8 = arith.constant 0 : index
    %get3A_9 = arith.constant 0 : index
    %get3A_10 = vector.load %arg3[%get3A_8, %get3A_9] : memref<128x16xf32, #tpu.memory_space<vmem>>, vector<128x16xf32>
    %dot_general3A_11 = arith.constant dense<0.000000e+00> : vector<1000x16xf32>
    %dot_general3A_12 = tpu.matmul %get3A_1, %get3A_10, %dot_general3A_11 {dimension_numbers = #tpu.dot_dimension_numbers<[1], [0], [0], [1], [0, 0, 1, 1], [], []>, transpose_lhs_hint = false} : vector<1000x128xf32>, vector<128x16xf32>, vector<1000x16xf32> -> vector<1000x16xf32>
    %swap3A_13 = arith.constant 0 : index
    %swap3A_14 = arith.constant 0 : index
    %swap3A_15 = vector.load %arg5[%swap3A_13, %swap3A_14] : memref<1000x16xf32, #tpu.memory_space<vmem>>, vector<1000x16xf32>
    tpu.vector_store %arg5[%swap3A_13, %swap3A_14], %dot_general3A_12 {strides = array<i32>} : memref<1000x16xf32, #tpu.memory_space<vmem>>, vector<1000x16xf32>,
    return
  }
  func.func @transform_0(%arg0: i32) -> (i32, i32) {
    %c0_i32 = arith.constant 0 : i32
    %c0_i32_0 = arith.constant 0 : i32
    return %arg0, %c0_i32 : i32, i32
  }
  func.func @transform_1(%arg0: i32) -> (i32, i32) {
    %c0_i32 = arith.constant 0 : i32
    %c0_i32_0 = arith.constant 0 : i32
    %c0_i32_1 = arith.constant 0 : i32
    return %c0_i32, %c0_i32_0 : i32, i32
  }
  func.func @transform_2(%arg0: i32) -> (i32, i32) {
    %c0_i32 = arith.constant 0 : i32
    %c0_i32_0 = arith.constant 0 : i32
    %c0_i32_1 = arith.constant 0 : i32
    return %c0_i32, %c0_i32_0 : i32, i32
  }
  func.func @transform_3(%arg0: i32) -> (i32, i32) {
    %c0_i32 = arith.constant 0 : i32
    %c0_i32_0 = arith.constant 0 : i32
    return %arg0, %c0_i32 : i32, i32
  }
  func.func @transform_4(%arg0: i32) -> (i32, i32) {
    %c0_i32 = arith.constant 0 : i32
    %c0_i32_0 = arith.constant 0 : i32
    return %arg0, %c0_i32 : i32, i32
  }
}

module attributes {stable_mosaic.version = 14 : i64} {
  func.func @_dense_c_body(%arg0: i32, %arg1: memref<2x1000x144xf32, #tpu.memory_space<vmem>>, %arg2: memref<16x128xf32, #tpu.memory_space<vmem>>, %arg3: memref<1x128xf32, #tpu.memory_space<vmem>>, %arg4: memref<128x64xf32, #tpu.memory_space<vmem>>, %arg5: memref<64x80xf32, #tpu.memory_space<vmem>>, %arg6: memref<64x16xf32, #tpu.memory_space<vmem>>, %arg7: memref<1000x80xf32, #tpu.memory_space<vmem>>, %arg8: memref<1000x16xf32, #tpu.memory_space<vmem>>) attributes {dimension_semantics = [#tpu.dimension_semantics<arbitrary>], iteration_bounds = array<i64: 10>, scalar_prefetch = 0 : i64, scratch_operands = 0 : i64, tpu.core_type = #tpu.core_type<tc>, window_params = [{transform_indices = @transform_0, window_bounds = array<i64: 2, 1000, 144>}, {pipeline_mode = #tpu.pipeline_mode<synchronous>, transform_indices = @transform_1, window_bounds = array<i64: 16, 128>}, {pipeline_mode = #tpu.pipeline_mode<synchronous>, transform_indices = @transform_2, window_bounds = array<i64: 1, 128>}, {pipeline_mode = #tpu.pipeline_mode<synchronous>, transform_indices = @transform_3, window_bounds = array<i64: 128, 64>}, {pipeline_mode = #tpu.pipeline_mode<synchronous>, transform_indices = @transform_4, window_bounds = array<i64: 64, 80>}, {pipeline_mode = #tpu.pipeline_mode<synchronous>, transform_indices = @transform_5, window_bounds = array<i64: 64, 16>}, {transform_indices = @transform_6, window_bounds = array<i64: 1000, 80>}, {transform_indices = @transform_7, window_bounds = array<i64: 1000, 16>}]} {
    %get3A = arith.constant 0 : index
    %get3A_0 = arith.constant 0 : index
    %get3A_1 = arith.constant 0 : index
    %get3A_2 = vector.load %arg1[%get3A, %get3A_0, %get3A_1] : memref<2x1000x144xf32, #tpu.memory_space<vmem>>, vector<1x1000x144xf32>
    %get3A_3 = vector.shape_cast %get3A_2 : vector<1x1000x144xf32> to vector<1000x144xf32>
    %get3A_4 = arith.constant 1 : index
    %get3A_5 = arith.constant 0 : index
    %get3A_6 = arith.constant 0 : index
    %get3A_7 = vector.load %arg1[%get3A_4, %get3A_5, %get3A_6] : memref<2x1000x144xf32, #tpu.memory_space<vmem>>, vector<1x1000x144xf32>
    %get3A_8 = vector.shape_cast %get3A_7 : vector<1x1000x144xf32> to vector<1000x144xf32>
    %add3A = arith.addf %get3A_3, %get3A_8 : vector<1000x144xf32>
    %slice3A = vector.extract_strided_slice %add3A {offsets = [0, 0], sizes = [1000, 128], strides = [1, 1]} : vector<1000x144xf32> to vector<1000x128xf32>
    %slice3A_9 = vector.extract_strided_slice %add3A {offsets = [0, 128], sizes = [1000, 16], strides = [1, 1]} : vector<1000x144xf32> to vector<1000x16xf32>
    %get3A_10 = arith.constant 0 : index
    %get3A_11 = arith.constant 0 : index
    %get3A_12 = vector.load %arg2[%get3A_10, %get3A_11] : memref<16x128xf32, #tpu.memory_space<vmem>>, vector<16x128xf32>
    %dot_general3A = arith.constant dense<0.000000e+00> : vector<1000x128xf32>
    %dot_general3A_13 = tpu.matmul %slice3A_9, %get3A_12, %dot_general3A {dimension_numbers = #tpu.dot_dimension_numbers<[1], [0], [0], [1], [0, 0, 1, 1], [], []>, transpose_lhs_hint = false} : vector<1000x16xf32>, vector<16x128xf32>, vector<1000x128xf32> -> vector<1000x128xf32>
    %add3A_14 = arith.constant 1.000000e-16 : f32
    %add3A_15 = vector.broadcast %add3A_14 : f32 to vector<1000x128xf32>
    %add3A_16 = arith.addf %dot_general3A_13, %add3A_15 : vector<1000x128xf32>
    %div3A = arith.divf %slice3A, %add3A_16 : vector<1000x128xf32>
    %get3A_17 = arith.constant 0 : index
    %get3A_18 = arith.constant 0 : index
    %get3A_19 = vector.load %arg3[%get3A_17, %get3A_18] : memref<1x128xf32, #tpu.memory_space<vmem>>, vector<1x128xf32>
    %add3A_20 = vector.broadcast %get3A_19 : vector<1x128xf32> to vector<1000x128xf32>
    %add3A_21 = arith.addf %div3A, %add3A_20 : vector<1000x128xf32>
    %gt3A = arith.constant 0.000000e+00 : f32
    %gt3A_22 = vector.broadcast %gt3A : f32 to vector<1000x128xf32>
    %gt3A_23 = arith.cmpf ogt, %add3A_21, %gt3A_22 : vector<1000x128xf32>
    %exp3A = math.exp %add3A_21 : vector<1000x128xf32>
    %sub3A = arith.constant 1.000000e+00 : f32
    %sub3A_24 = vector.broadcast %sub3A : f32 to vector<1000x128xf32>
    %sub3A_25 = arith.subf %exp3A, %sub3A_24 : vector<1000x128xf32>
    %select_n3A = arith.select %gt3A_23, %add3A_21, %sub3A_25 : vector<1000x128xi1>, vector<1000x128xf32>
    %get3A_26 = arith.constant 0 : index
    %get3A_27 = arith.constant 0 : index
    %get3A_28 = vector.load %arg4[%get3A_26, %get3A_27] : memref<128x64xf32, #tpu.memory_space<vmem>>, vector<128x64xf32>
    %dot_general3A_29 = arith.constant dense<0.000000e+00> : vector<1000x64xf32>
    %dot_general3A_30 = tpu.matmul %select_n3A, %get3A_28, %dot_general3A_29 {dimension_numbers = #tpu.dot_dimension_numbers<[1], [0], [0], [1], [0, 0, 1, 1], [], []>, transpose_lhs_hint = false} : vector<1000x128xf32>, vector<128x64xf32>, vector<1000x64xf32> -> vector<1000x64xf32>
    %get3A_31 = arith.constant 0 : index
    %get3A_32 = arith.constant 0 : index
    %get3A_33 = vector.load %arg5[%get3A_31, %get3A_32] : memref<64x80xf32, #tpu.memory_space<vmem>>, vector<64x80xf32>
    %dot_general3A_34 = arith.constant dense<0.000000e+00> : vector<1000x80xf32>
    %dot_general3A_35 = tpu.matmul %dot_general3A_30, %get3A_33, %dot_general3A_34 {dimension_numbers = #tpu.dot_dimension_numbers<[1], [0], [0], [1], [0, 0, 1, 1], [], []>, transpose_lhs_hint = false} : vector<1000x64xf32>, vector<64x80xf32>, vector<1000x80xf32> -> vector<1000x80xf32>
    %swap3A = arith.constant 0 : index
    %swap3A_36 = arith.constant 0 : index
    %swap3A_37 = vector.load %arg7[%swap3A, %swap3A_36] : memref<1000x80xf32, #tpu.memory_space<vmem>>, vector<1000x80xf32>
    tpu.vector_store %arg7[%swap3A, %swap3A_36], %dot_general3A_35 {strides = array<i32>} : memref<1000x80xf32, #tpu.memory_space<vmem>>, vector<1000x80xf32>,
    %get3A_38 = arith.constant 0 : index
    %get3A_39 = arith.constant 0 : index
    %get3A_40 = vector.load %arg6[%get3A_38, %get3A_39] : memref<64x16xf32, #tpu.memory_space<vmem>>, vector<64x16xf32>
    %dot_general3A_41 = arith.constant dense<0.000000e+00> : vector<1000x16xf32>
    %dot_general3A_42 = tpu.matmul %dot_general3A_30, %get3A_40, %dot_general3A_41 {dimension_numbers = #tpu.dot_dimension_numbers<[1], [0], [0], [1], [0, 0, 1, 1], [], []>, transpose_lhs_hint = false} : vector<1000x64xf32>, vector<64x16xf32>, vector<1000x16xf32> -> vector<1000x16xf32>
    %swap3A_43 = arith.constant 0 : index
    %swap3A_44 = arith.constant 0 : index
    %swap3A_45 = vector.load %arg8[%swap3A_43, %swap3A_44] : memref<1000x16xf32, #tpu.memory_space<vmem>>, vector<1000x16xf32>
    tpu.vector_store %arg8[%swap3A_43, %swap3A_44], %dot_general3A_42 {strides = array<i32>} : memref<1000x16xf32, #tpu.memory_space<vmem>>, vector<1000x16xf32>,
    return
  }
  func.func @transform_0(%arg0: i32) -> (i32, i32, i32) {
    %c0_i32 = arith.constant 0 : i32
    %c0_i32_0 = arith.constant 0 : i32
    %c0_i32_1 = arith.constant 0 : i32
    return %c0_i32, %arg0, %c0_i32_0 : i32, i32, i32
  }
  func.func @transform_1(%arg0: i32) -> (i32, i32) {
    %c0_i32 = arith.constant 0 : i32
    %c0_i32_0 = arith.constant 0 : i32
    %c0_i32_1 = arith.constant 0 : i32
    return %c0_i32, %c0_i32_0 : i32, i32
  }
  func.func @transform_2(%arg0: i32) -> (i32, i32) {
    %c0_i32 = arith.constant 0 : i32
    %c0_i32_0 = arith.constant 0 : i32
    %c0_i32_1 = arith.constant 0 : i32
    return %c0_i32, %c0_i32_0 : i32, i32
  }
  func.func @transform_3(%arg0: i32) -> (i32, i32) {
    %c0_i32 = arith.constant 0 : i32
    %c0_i32_0 = arith.constant 0 : i32
    %c0_i32_1 = arith.constant 0 : i32
    return %c0_i32, %c0_i32_0 : i32, i32
  }
  func.func @transform_4(%arg0: i32) -> (i32, i32) {
    %c0_i32 = arith.constant 0 : i32
    %c0_i32_0 = arith.constant 0 : i32
    %c0_i32_1 = arith.constant 0 : i32
    return %c0_i32, %c0_i32_0 : i32, i32
  }
  func.func @transform_5(%arg0: i32) -> (i32, i32) {
    %c0_i32 = arith.constant 0 : i32
    %c0_i32_0 = arith.constant 0 : i32
    %c0_i32_1 = arith.constant 0 : i32
    return %c0_i32, %c0_i32_0 : i32, i32
  }
  func.func @transform_6(%arg0: i32) -> (i32, i32) {
    %c0_i32 = arith.constant 0 : i32
    %c0_i32_0 = arith.constant 0 : i32
    return %arg0, %c0_i32 : i32, i32
  }
  func.func @transform_7(%arg0: i32) -> (i32, i32) {
    %c0_i32 = arith.constant 0 : i32
    %c0_i32_0 = arith.constant 0 : i32
    return %arg0, %c0_i32 : i32, i32
  }
}

module attributes {stable_mosaic.version = 14 : i64} {
  func.func @_dense_e_body(%arg0: i32, %arg1: memref<2x1000x80xf32, #tpu.memory_space<vmem>>, %arg2: memref<16x64xf32, #tpu.memory_space<vmem>>, %arg3: memref<1x64xf32, #tpu.memory_space<vmem>>, %arg4: memref<1000x64xf32, #tpu.memory_space<vmem>>) attributes {dimension_semantics = [#tpu.dimension_semantics<arbitrary>], iteration_bounds = array<i64: 10>, scalar_prefetch = 0 : i64, scratch_operands = 0 : i64, tpu.core_type = #tpu.core_type<tc>, window_params = [{transform_indices = @transform_0, window_bounds = array<i64: 2, 1000, 80>}, {pipeline_mode = #tpu.pipeline_mode<synchronous>, transform_indices = @transform_1, window_bounds = array<i64: 16, 64>}, {pipeline_mode = #tpu.pipeline_mode<synchronous>, transform_indices = @transform_2, window_bounds = array<i64: 1, 64>}, {transform_indices = @transform_3, window_bounds = array<i64: 1000, 64>}]} {
    %get3A = arith.constant 0 : index
    %get3A_0 = arith.constant 0 : index
    %get3A_1 = arith.constant 0 : index
    %get3A_2 = vector.load %arg1[%get3A, %get3A_0, %get3A_1] : memref<2x1000x80xf32, #tpu.memory_space<vmem>>, vector<1x1000x80xf32>
    %get3A_3 = vector.shape_cast %get3A_2 : vector<1x1000x80xf32> to vector<1000x80xf32>
    %get3A_4 = arith.constant 1 : index
    %get3A_5 = arith.constant 0 : index
    %get3A_6 = arith.constant 0 : index
    %get3A_7 = vector.load %arg1[%get3A_4, %get3A_5, %get3A_6] : memref<2x1000x80xf32, #tpu.memory_space<vmem>>, vector<1x1000x80xf32>
    %get3A_8 = vector.shape_cast %get3A_7 : vector<1x1000x80xf32> to vector<1000x80xf32>
    %add3A = arith.addf %get3A_3, %get3A_8 : vector<1000x80xf32>
    %slice3A = vector.extract_strided_slice %add3A {offsets = [0, 0], sizes = [1000, 64], strides = [1, 1]} : vector<1000x80xf32> to vector<1000x64xf32>
    %slice3A_9 = vector.extract_strided_slice %add3A {offsets = [0, 64], sizes = [1000, 16], strides = [1, 1]} : vector<1000x80xf32> to vector<1000x16xf32>
    %get3A_10 = arith.constant 0 : index
    %get3A_11 = arith.constant 0 : index
    %get3A_12 = vector.load %arg2[%get3A_10, %get3A_11] : memref<16x64xf32, #tpu.memory_space<vmem>>, vector<16x64xf32>
    %dot_general3A = arith.constant dense<0.000000e+00> : vector<1000x64xf32>
    %dot_general3A_13 = tpu.matmul %slice3A_9, %get3A_12, %dot_general3A {dimension_numbers = #tpu.dot_dimension_numbers<[1], [0], [0], [1], [0, 0, 1, 1], [], []>, transpose_lhs_hint = false} : vector<1000x16xf32>, vector<16x64xf32>, vector<1000x64xf32> -> vector<1000x64xf32>
    %add3A_14 = arith.constant 1.000000e-16 : f32
    %add3A_15 = vector.broadcast %add3A_14 : f32 to vector<1000x64xf32>
    %add3A_16 = arith.addf %dot_general3A_13, %add3A_15 : vector<1000x64xf32>
    %div3A = arith.divf %slice3A, %add3A_16 : vector<1000x64xf32>
    %get3A_17 = arith.constant 0 : index
    %get3A_18 = arith.constant 0 : index
    %get3A_19 = vector.load %arg3[%get3A_17, %get3A_18] : memref<1x64xf32, #tpu.memory_space<vmem>>, vector<1x64xf32>
    %add3A_20 = vector.broadcast %get3A_19 : vector<1x64xf32> to vector<1000x64xf32>
    %add3A_21 = arith.addf %div3A, %add3A_20 : vector<1000x64xf32>
    %swap3A = arith.constant 0 : index
    %swap3A_22 = arith.constant 0 : index
    %swap3A_23 = vector.load %arg4[%swap3A, %swap3A_22] : memref<1000x64xf32, #tpu.memory_space<vmem>>, vector<1000x64xf32>
    tpu.vector_store %arg4[%swap3A, %swap3A_22], %add3A_21 {strides = array<i32>} : memref<1000x64xf32, #tpu.memory_space<vmem>>, vector<1000x64xf32>,
    return
  }
  func.func @transform_0(%arg0: i32) -> (i32, i32, i32) {
    %c0_i32 = arith.constant 0 : i32
    %c0_i32_0 = arith.constant 0 : i32
    %c0_i32_1 = arith.constant 0 : i32
    return %c0_i32, %arg0, %c0_i32_0 : i32, i32, i32
  }
  func.func @transform_1(%arg0: i32) -> (i32, i32) {
    %c0_i32 = arith.constant 0 : i32
    %c0_i32_0 = arith.constant 0 : i32
    %c0_i32_1 = arith.constant 0 : i32
    return %c0_i32, %c0_i32_0 : i32, i32
  }
  func.func @transform_2(%arg0: i32) -> (i32, i32) {
    %c0_i32 = arith.constant 0 : i32
    %c0_i32_0 = arith.constant 0 : i32
    %c0_i32_1 = arith.constant 0 : i32
    return %c0_i32, %c0_i32_0 : i32, i32
  }
  func.func @transform_3(%arg0: i32) -> (i32, i32) {
    %c0_i32 = arith.constant 0 : i32
    %c0_i32_0 = arith.constant 0 : i32
    return %arg0, %c0_i32 : i32, i32
  }
}

</mosaic_0001>

<sc_bundles>
// kernel: kernel.10.cloned.1.call-start
scs
__scs_entry_jumppad:
0x0: {  	(pc) =	sbr.rel $0x88, $3  }
0x1: {  	(tag) =	ssettag $0x0;
	lr =	simm.s32 $0x1  }
0x2: {  	[smem:$0x3F97] =	sst lr;
	_ =	strace $0xD0000000  }
0x3: {  	_ = 	snop  }
0x4: {  	_ = 	snop  }
0x5: {  	_ = 	snop  }
0x6: {  	_ = 	snop  }
0x7: {  	_ = 	snop  }
__scs_overlays_trampoline_lowered:
0x8: {  	[smem:$0x3FA6] =	sst s0  }
0x9: {  	[smem:$0x3FA7] =	sst s1  }
0xa: {  	[smem:$0x3FA8] =	sst s2  }
0xb: {  	[smem:$0x3FA9] =	sst s3  }
0xc: {  	[smem:$0x3FAA] =	sst s4  }
0xd: {  	[smem:$0x3FAB] =	sst s5  }
0xe: {  	[smem:$0x3FAC] =	sst s6  }
0xf: {  	[smem:$0x3FAD] =	sst s7  }
0x10: {  	[smem:$0x3FAE] =	sst s8  }
0x11: {  	[smem:$0x3FAF] =	sst s9;
	s0 =	simm.s32 @!p0 $0x0  }
0x12: {  	s1 =	sld [smem:$0x3F95];
	s0 =	simm.s32 @p0 $0x1  }
0x13: {  	[smem:$0x3FB0] =	sst s0;
	s0 =	simm.s32 @!p1 $0x0  }
0x14: {  	s2 =	sld [smem:$0x3F94];
	s0 =	simm.s32 @p1 $0x1  }
0x15: {  	[smem:$0x3FB1] =	sst s0;
	s0 =	simm.s32 @!p2 $0x0  }
0x16: {  	s3 =	sld [smem:$0x3FDB];
	s0 =	simm.s32 @p2 $0x1  }
0x17: {  	s4 =	simm.s32 $0x1BF5;
	[smem:$0x3FB3] =	sst s0  }
0x18: {  	s0 =	sld [smem:$0x3F96];
	_ =	swait.ge [sflag:s4], $0x0  }
0x19: {  	s7 =	sld [smem:$0x3F97]  }
0x1a: {  	s8 =	sadd.s32 $0xFFFFE003, lr  }
0x1b: {  	s9 =	sadd.s32 $0xFFFFFEF7, lr;
	s5 =	simm.s32 $0xFFFFFFFF;
	p2 =	slt.u32 s8, $0xFFFFF086  }
0x1c: {  	p1 =	slt.u32 s9, $0xF7A;
	s5 =	simm.s32 @!p2 $0x0  }
0x1d: {  	s5 =	simm.s32 @p1 $0x1;
	p0 =	seq.s32 s7, s2  }
0x1e: {  	s7 =	smul.u32 @!p0 $0xF7A, s2;
	p2 =	seq.s32 @!p0 s5, $0x0  }
0x1f: {  	s9 =	smul.u32 $0xF7A, s1;
	s8 =	simm.s32 @!p0 $0x1BF5;
	p2 =	por !p2, p0  }
0x20: {  	[sflag:s8] =	ssyncset.s32 @!p0 $0xFFFFF086;
	s6 =	sadd.s32 @!p0 s3, s7;
	s7 =	simm.s32 @!p0 $0x108  }
0x21: {  	s3 =	sadd.s32 s3, s9;
	s6 =	sadd.s32 @!p0 $0x88, s6;
	s7 =	simm.s32 @p2 $0x1082  }
0x22: {  	[simem:s7], [sflag:s8] =	dma.local @!p0 [hbm:s6], $0xF7A  }
0x23: {  	s9 =	sor.u32 $0xD0000000, s2;
	s6 =	simm.s32 $0x108;
	_ =	swait.ge @!p0 [sflag:s8], $0x0  }
0x24: {  	s3 =	sadd.s32 $0x88, s3;
	s6 =	simm.s32 @!p1 $0x1082;
	[sflag:s4] =	ssyncset.s32 $0xFFFFF086  }
0x25: {  	[simem:s6], [sflag:s4] =	dma.local [hbm:s3], $0xF7A  }
0x26: {  	[smem:$0x3F97] =	sst s1;
	(tag) =	ssettag s2;
	_ =	strace s9  }
0x27: {  	s1 =	sld [smem:$0x3FA7]  }
0x28: {  	s2 =	sld [smem:$0x3FA8]  }
0x29: {  	s4 =	sld [smem:$0x3FAA]  }
0x2a: {  	p0 =	seq.s32 s5, $0x0;
	s5 =	sld [smem:$0x3FAB]  }
0x2b: {  	s6 =	sld [smem:$0x3FAC]  }
0x2c: {  	s7 =	sld [smem:$0x3FAD]  }
0x2d: {  	s3 =	simm.s32 $0x108;
	s8 =	sld [smem:$0x3FAE]  }
0x2e: {  	s3 =	simm.s32 @!p0 $0x1082;
	s9 =	sld [smem:$0x3FAF]  }
0x2f: {  	lr =	sadd.s32 s0, s3;
	s0 =	sld [smem:$0x3FA6]  }
0x30: {  	s3 =	sld [smem:$0x3FA9]  }
0x31: {  	[smem:$0x3FB2] =	sst s10  }
0x32: {  	s10 =	sld [smem:$0x3FB0];
	_ =	sdelay $0x3  }
0x33: {  	p0 =	seq.s32 s10, $0x1;
	s10 =	sld [smem:$0x3FB2];
	_ =	sdelay $0x3  }
0x34: {  	[smem:$0x3FB2] =	sst s10  }
0x35: {  	s10 =	sld [smem:$0x3FB1];
	_ =	sdelay $0x3  }
0x36: {  	p1 =	seq.s32 s10, $0x1;
	s10 =	sld [smem:$0x3FB2];
	_ =	sdelay $0x3  }
0x37: {  	[smem:$0x3FB2] =	sst s10  }
0x38: {  	s10 =	sld [smem:$0x3FB3]  }
0x39: {  	_ = 	snop;
	(pc) =	sbr.ind lr, $3  }
0x3a: {  	_ = 	snop  }
0x3b: {  	_ = 	snop  }
0x3c: {  	p2 =	seq.s32 s10, $0x1;
	s10 =	sld [smem:$0x3FB2]  }
0x3d: {  	_ =	shalt  }
0x3e: {  	_ =	shalt  }
0x3f: {  	_ =	shalt  }
0x40: {  	_ =	shalt  }
0x41: {  	_ =	shalt  }
0x42: {  	_ =	shalt  }
0x43: {  	_ =	shalt  }
0x44: {  	_ =	shalt  }
0x45: {  	_ =	shalt  }
0x46: {  	_ =	shalt  }
0x47: {  	_ =	shalt  }
0x48: {  	_ =	shalt  }
0x49: {  	_ =	shalt  }
0x4a: {  	_ =	shalt  }
0x4b: {  	_ =	shalt  }
0x4c: {  	_ =	shalt  }
0x4d: {  	_ =	shalt  }
0x4e: {  	_ =	shalt  }
0x4f: {  	_ =	shalt  }
0x50: {  	_ =	shalt  }
0x51: {  	_ =	shalt  }
0x52: {  	_ =	shalt  }
0x53: {  	_ =	shalt  }
0x54: {  	_ =	shalt  }
0x55: {  	_ =	shalt  }
0x56: {  	_ =	shalt  }
0x57: {  	_ =	shalt  }
0x58: {  	_ =	shalt  }
0x59: {  	_ =	shalt  }
0x5a: {  	_ =	shalt  }
0x5b: {  	_ =	shalt  }
0x5c: {  	_ =	shalt  }
0x5d: {  	_ =	shalt  }
0x5e: {  	_ =	shalt  }
0x5f: {  	_ =	shalt  }
0x60: {  	_ =	shalt  }
0x61: {  	_ =	shalt  }
0x62: {  	_ =	shalt  }
0x63: {  	_ =	shalt  }
0x64: {  	_ =	shalt  }
0x65: {  	_ =	shalt  }
0x66: {  	_ =	shalt  }
0x67: {  	_ =	shalt  }
0x68: {  	_ =	shalt  }
0x69: {  	_ =	shalt  }
0x6a: {  	_ =	shalt  }
0x6b: {  	_ =	shalt  }
0x6c: {  	_ =	shalt  }
0x6d: {  	_ =	shalt  }
0x6e: {  	_ =	shalt  }
0x6f: {  	_ =	shalt  }
0x70: {  	_ =	shalt  }
0x71: {  	_ =	shalt  }
0x72: {  	_ =	shalt  }
0x73: {  	_ =	shalt  }
0x74: {  	_ =	shalt  }
0x75: {  	_ =	shalt  }
0x76: {  	_ =	shalt  }
0x77: {  	_ =	shalt  }
0x78: {  	_ =	shalt  }
0x79: {  	_ =	shalt  }
0x7a: {  	_ =	shalt  }
0x7b: {  	_ =	shalt  }
0x7c: {  	_ =	shalt  }
0x7d: {  	_ =	shalt  }
0x7e: {  	_ =	shalt  }
0x7f: {  	_ =	shalt  }
0x80: {  	_ =	shalt  }
0x81: {  	_ =	shalt  }
0x82: {  	_ =	shalt  }
0x83: {  	_ =	shalt  }
0x84: {  	_ =	shalt  }
0x85: {  	_ =	shalt  }
0x86: {  	_ =	shalt  }
0x87: {  	_ =	shalt  }
.Lfunc_end0:
.L_simem_size_0:
called_computation.1_lowered:
.L_overlay_start_0:
0x88: {  	s2 =	sld [smem:$0x3FD9]  }
0x89: {  	s3 =	sld [smem:$0x3FFE];
	_ =	sdelay $0x1  }
0x8a: {  	s1 =	srdreg.scid  }
0x8b: {  	s0 =	sand.u32 $0x1, s1  }
0x8c: {  	s17 =	sshll.u32 s0, $0xA;
	s2 =	sadd.s32 s3, s2  }
0x8d: {  	s2 =	sadd.s32 s2, s17  }
0x8e: {  	[smem:$0x3FBE] =	sst s2  }
0x8f: {  	_ = 	snop  }
0x90: {  	s2 =	sld [smem:$0x3FD0];
	(tm) =	ssettm $0x1  }
0x91: {  	s18 =	sld [smem:$0x3FFB];
	_ =	sdelay $0x3  }
0x92: {  	_ =	strace s18  }
0x93: {  	s3 =	sld [smem:$0x3FFC];
	_ =	sdelay $0x3  }
0x94: {  	_ =	strace s3  }
0x95: {  	s3 =	sld [smem:$0x3FFD];
	_ =	sdelay $0x3  }
0x96: {  	_ =	strace s3  }
0x97: {  	_ =	strace $0x8FFFFFFF  }
0x98: {  	s19 =	sld [smem:$0x3FDB];
	_ =	sdelay $0x1  }
0x99: {  	s4 =	simm.s32 $_scs_section_size  }
0x9a: {  	s5 =	simm.s32 $_size__tile_overlayer_lowered;
	s6 =	simm.s32 $_tile_overlayer_lowered  }
0x9b: {  	s22 =	simm.s32 $0x1BFF;
	s21 =	sshll.u32 s6, $0x1;
	s3 =	sadd.s32 s4, s19  }
0x9c: {  	s7 =	simm.s32 $0x0;
	s20 =	sshll.u32 s5, $0x1;
	s5 =	sadd.s32 s21, s3  }
0x9d: {  	[timem:s7], [sflag:s22] =	dma.local [hbm:s5], s20  }
0x9e: {  	_ =	swait.ge [sflag:s22], s20  }
0x9f: {  	s4 =	ssub.s32 $0x0, s20;
	[sflag:s22] =	ssyncset.done $0x0  }
0xa0: {  	[sflag:s22] =	ssyncadd.s32 s4;
	_ =	sdelay $0x1  }
0xa1: {  	s23 =	simm.s32 $0x1B8B  }
0xa2: {  	_ =	swait.ge [sflag:s23], $0x1  }
0xa3: {  	[sflag:s23] =	ssyncset.done $0x0  }
0xa4: {  	s25 =	simm.s32 $0x1B8E;
	s24 =	sld [smem:$0x3FFE];
	[sflag:s23] =	ssyncadd.s32 $0xFFFFFFFF  }
0xa5: {  	s26 =	simm.s32 $execute0_lowered;
	[smem:$0x3FD2] =	sst s25  }
0xa6: {  	s5 =	sshll.u32 s26, $0x1;
	_ =	strace $0x80000049;
	[dreg:$0x1] =	wrdreg $0xFFFFFFFF  }
0xa7: {  	s28 =	simm.s32 $_size_execute0_lowered;
	s3 =	sadd.s32 s3, s5;
	[dreg:$0x0] =	wrdreg $0x0  }
0xa8: {  	s5 =	sshll.u32 s28, $0x1;
	[dreg:$0x2] =	wrdreg s3  }
0xa9: {  	[dreg:$0x3] =	wrdreg s5  }
0xaa: {  	[dreg:$0x4] =	wrdreg $0xC0  }
0xab: {  	_ =	task [dreg:s7], $0x5FFFF  }
0xac: {  	[dreg:$0x1] =	wrdreg $0xFFFFFFFF  }
0xad: {  	[dreg:$0x0] =	wrdreg $0x60  }
0xae: {  	[dreg:$0x2] =	wrdreg s24  }
0xaf: {  	[dreg:$0x3] =	wrdreg s2  }
0xb0: {  	[dreg:$0x4] =	wrdreg $0x5FC00  }
0xb1: {  	[dreg:$0x5] =	wrdreg $0x9  }
0xb2: {  	_ =	task.clear_ibuf [dreg:s7], $0x6FFFF;
	_ =	strace $0x90000049  }
0xb3: {  	s29 =	simm.s32 $0x9;
	_ =	strace $0x8000004B  }
0xb4: {  	_ =	swait.ge [sflag:s29], $0x1  }
0xb5: {  	[sflag:s29] =	ssyncadd.s32 $0xFFFFFFFF  }
0xb6: {  	_ =	strace $0x9000004B  }
0xb7: {  	_ =	sfence  }
0xb8: {  	s30 =	sld [smem:$0x0];
	_ =	sdelay $0x2  }
0xb9: {  	s31 =	sshll.u32 s1, $0xD;
	s1 =	sshrl.u32 s1, $0x2  }
0xba: {  	s3 =	sand.u32 $0x4000, s31;
	s1 =	sadd.s32 s1, s30  }
0xbb: {  	s0 =	sor.u32 s3, s0;
	s1 =	sshll.u32 s1, $0x11  }
0xbc: {  	s0 =	sor.u32 s1, s0  }
0xbd: {  	s0 =	sadd.s32 $0x8F2B, s0  }
0xbe: {  	[sflag:s0] =	ssyncadd.remote.s32 $0x1  }
0xbf: {  	_ =	sfence.sel $0xFFFF  }
0xc0: {  	[dreg:$0x0] =	wrdreg $0xFFFFFFFF;
	(pc) =	sbr.abs _section_cstart, $3  }
0xc1: {  	[dreg:$0x1] =	wrdreg $0xFFFFFFFF  }
0xc2: {  	_ =	task.clear_ibuf [dreg:s7], $0x2FFFF;
	_ =	strace $0x9FFFFFFF  }
0xc3: {  	(tm) =	ssettm $0x7FFFFFFF  }
tec
execute0_lowered:
.L_overlay_start_1:
0x0: {  	(tag) =	ssettag $0x1  }
0x1: {  	s0 =	rddreg [dreg:$0x0]  }
0x2: {  	s1 =	srdreg.scid;
	s2 =	rddreg [dreg:$0x1]  }
0x3: {  	s5 =	stileid.u32;
	s3 =	rddreg [dreg:$0x2];
	s18 =	simm.s32 $0x200  }
0x4: {  	s19 =	simm.s32 $0x5;
	s23 =	simm.s32 $0x3;
	s24 =	simm.s32 $0x2  }
0x5: {  	s28 =	simm.s32 $0x2910;
	s29 =	simm.s32 $0x4;
	s30 =	simm.s32 $0x100  }
0x6: {  	s1 =	sand.u32 $0x1, s1;
	s4 =	sshll.u32 s5, $0x1;
	s5 =	smul.u32 $0x278, s5  }
0x7: {  	s31 =	simm.s32 $0x57F0;
	s6 =	sor.u32 s1, s4;
	s9 =	smul.u32 $0xC3500, s1  }
0x8: {  	s4 =	simm.s32 $0x0;
	s1 =	ssub.s32 $0x2, s1;
	s7 =	smul.u32 $0xA00, s6  }
0x9: {  	s8 =	smin.u32 s5, $0x2498;
	[smem:$0x7FF] =	sst s4;
	s6 =	smul.u32 $0x50, s6  }
0xa: {  	s5 =	sadd.s32 $0x1400, s0;
	s11 =	sshrl.u32 s1, $0x1;
	s10 =	smul.u32 $0x50, s8  }
0xb: {  	_ =	strace $0x8000004A;
	s12 =	smul.u32 $0x140, s8;
	s1 =	ssub.s32 s1, s11  }
0xc: {  	s8 =	sadd.s32 $0x2D420, s0;
	s7 =	sadd.s32 s7, s0;
	s25 =	smax.u32 s1, $0x1  }
0xd: {  	s1 =	simm.s32 $0x1;
	s9 =	sadd.s32 s9, s10;
	s7 =	sadd.s32 $0x2D400, s7  }
0xe: {  	s20 =	sshrl.u32 s12, $0x2;
	s22 =	sadd.s32 s10, s3;
	[dreg:$0x6] =	wrdreg s25  }
0xf: {  	s9 =	sshrl.u32 s9, $0x3;
	[dreg:$0x4] =	wrdreg s7;
	s10 =	sadd.s32 s20, s3  }
.Ltmp0:
0x10: {  	s20 =	simm.s32 $0x7D;
	s25 =	sshrl.u32 s22, $0x3;
	(pc) =	sbr.rel .LBB2_1-.Ltmp0, $4  }
0x11: {  	s9 =	sadd.s32 s9, s0;
	s26 =	sadd.s32 $0x1E00, s10;
	s13 =	sadd.s32 $0x3C00, s10  }
0x12: {  	s14 =	sadd.s32 $0x5A00, s10;
	s15 =	sadd.s32 $0x7800, s10;
	s16 =	sadd.s32 $0x9600, s10  }
0x13: {  	s17 =	sadd.s32 $0xA780, s10;
	s21 =	sadd.s32 $0x41400, s9;
	[dreg:$0x7] =	wrdreg s26  }
0x14: {  	v0 =	vimm.f32 $0.0e+00;
	s26 =	simm.s32 $0x180;
	[dreg:$0x5] =	wrdreg s21;
	s21 =	simm.s32 $0x80  }
.LBB2_12:
0x15: {  	_ =	swait.ge [sflag:s29], $0x2710  }
0x16: {  	[sflag:s29] =	ssyncset.done $0x0  }
0x17: {  	s0 =	stileid.u32;
	[sflag:s29] =	ssyncadd.s32 $0xFFFFD8F0  }
0x18: {  	s0 =	sshll.u32 s0, $0x6;
	[bflag:$0x0] =	sbarrier.arrive $0xFFFF  }
0x19: {  	s0 =	sor.u32 $0x1C05, s0;
	s7 =	rddreg [dreg:$0x5]  }
0x1a: {  	[hbm:s7], [sflag:s0] =	dma.local [spmem:s25], $0x18B0  }
0x1b: {  	_ =	swait.ge [sflag:s19], $0x18B0  }
0x1c: {  	s4 =	sadd.s32 $0x1, s4;
	s22 =	rddreg [dreg:$0x6]  }
0x1d: {  	p0 =	sne.s32 s4, s22  }
.Ltmp1:
0x1e: {  	_ = 	snop;
	(pc) =	sbr.rel @!p0 .LBB2_13-.Ltmp1, $3  }
0x1f: {  	_ =	sdelay $0x1  }
0x20: {  	[sflag:s19] =	ssyncset.done $0x0  }
0x21: {  	[sflag:s19] =	ssyncadd.s32 $0xFFFFE750  }
.LBB2_1:
0x22: {  	s7 =	simm.s32 $0x140;
	s0 =	simm.s32 $0x0  }
.LBB2_2:
0x23: {  	p0 =	sne.s32 s7, $0x9B00;
	[tilespmem:s0+$0x240] =	vst v0;
	s9 =	smov.u32 s7;
	s7 =	sadd.s32 $0x140, s7  }
.Ltmp2:
0x24: {  	[tilespmem:s0+$0x230] =	vst v0;
	(pc) =	sbr.rel @p0 .LBB2_2-.Ltmp2, $4  }
0x25: {  	[tilespmem:s0+$0x220] =	vst v0  }
0x26: {  	[tilespmem:s0+$0x200] =	vst v0  }
0x27: {  	[tilespmem:s0+$0x210] =	vst v0  }
0x28: {  	s0 =	sshra.s32 s9, $0x2  }
0x29: {  	[tilespmem:s0+$0x240] =	vst v0  }
0x2a: {  	[tilespmem:s0+$0x230] =	vst v0  }
0x2b: {  	[tilespmem:s0+$0x220] =	vst v0  }
0x2c: {  	[tilespmem:s0+$0x200] =	vst v0  }
0x2d: {  	[tilespmem:s0+$0x210] =	vst v0  }
0x2e: {  	[spmem:s10] =	stream.linear.scatter [tilespmem:s18], [sflag:$0x5], $0x1E00, $0x38;
	[tilespmem:$0x12310] =	vst v63  }
0x2f: {  	_ =	swait.ge [sflag:s19], $0x1E00  }
0x30: {  	[sflag:s19] =	ssyncset.done $0x0  }
0x31: {  	s12 =	rddreg [dreg:$0x7];
	[sflag:s19] =	ssyncadd.s32 $0xFFFFE200  }
0x32: {  	[spmem:s12] =	stream.linear.scatter [tilespmem:s18], [sflag:$0x5], $0x1E00, $0x38;
	[tilespmem:$0x12310] =	vst v63  }
0x33: {  	_ =	swait.ge [sflag:s19], $0x1E00  }
0x34: {  	[sflag:s19] =	ssyncset.done $0x0  }
0x35: {  	[sflag:s19] =	ssyncadd.s32 $0xFFFFE200  }
0x36: {  	[spmem:s13] =	stream.linear.scatter [tilespmem:s18], [sflag:$0x5], $0x1E00, $0x38;
	[tilespmem:$0x12310] =	vst v63  }
0x37: {  	_ =	swait.ge [sflag:s19], $0x1E00  }
0x38: {  	[sflag:s19] =	ssyncset.done $0x0  }
0x39: {  	[sflag:s19] =	ssyncadd.s32 $0xFFFFE200  }
0x3a: {  	[spmem:s14] =	stream.linear.scatter [tilespmem:s18], [sflag:$0x5], $0x1E00, $0x38;
	[tilespmem:$0x12310] =	vst v63  }
0x3b: {  	_ =	swait.ge [sflag:s19], $0x1E00  }
0x3c: {  	[sflag:s19] =	ssyncset.done $0x0  }
0x3d: {  	[sflag:s19] =	ssyncadd.s32 $0xFFFFE200  }
0x3e: {  	[spmem:s15] =	stream.linear.scatter [tilespmem:s18], [sflag:$0x5], $0x1E00, $0x38;
	[tilespmem:$0x12310] =	vst v63  }
0x3f: {  	_ =	swait.ge [sflag:s19], $0x1E00  }
0x40: {  	[sflag:s19] =	ssyncset.done $0x0  }
0x41: {  	[sflag:s19] =	ssyncadd.s32 $0xFFFFE200  }
0x42: {  	[spmem:s16] =	stream.linear.scatter [tilespmem:s18], [sflag:$0x5], $0x1E00, $0x38;
	[tilespmem:$0x12310] =	vst v63  }
0x43: {  	_ =	swait.ge [sflag:s19], $0x1E00  }
0x44: {  	[sflag:s19] =	ssyncset.done $0x0  }
0x45: {  	[sflag:s19] =	ssyncadd.s32 $0xFFFFE200  }
0x46: {  	[spmem:s17] =	stream.linear.scatter [tilespmem:s18], [sflag:$0x5], $0x1E00, $0x38;
	[tilespmem:$0x12310] =	vst v63  }
0x47: {  	_ =	swait.ge [sflag:s19], $0x1E00  }
0x48: {  	[sflag:s19] =	ssyncset.done $0x0  }
0x49: {  	[sflag:s19] =	ssyncadd.s32 $0xFFFFE200  }
0x4a: {  	[bflag:$0x0] =	sbarrier.arrive $0xFFFF  }
0x4b: {  	s0 =	simm.s32 $0x0;
	s7 =	rddreg [dreg:$0x4]  }
0x4c: {  	[tilespmem:s0], [sflag:$0x5] =	stream.linear.gather [hbm4b:s7+s0], $0x100, $0x38;
	[tilespmem:$0x12310] =	vst v63  }
0x4d: {  	_ =	swait.ge [sflag:s19], $0x100  }
.Ltmp3:
0x4e: {  	[sflag:s19] =	ssyncset.done $0x0;
	(pc) =	sbr.rel .LBB2_4-.Ltmp3, $4  }
0x4f: {  	[sflag:s19] =	ssyncadd.s32 $0xFFFFFF00  }
0x50: {  	[tilespmem:s18], [sflag:$0x1] =	stream.indirect.gather [hbm4b:s5+s20], $0x50, s0, s20, $0xb8;
	[tilespmem:$0x12310] =	vst v63  }
0x51: {  	s22 =	simm.s32 $0x5020  }
0x52: {  	[tilespmem:s22], [sflag:$0x1] =	stream.indirect.gather [hbm4b:s2+s20], $0x10, s21, s20, $0xb8;
	[tilespmem:$0x12310] =	vst v63  }
.LBB2_11:
0x53: {  	s0 =	sadd.s32 $0x1, s0  }
0x54: {  	p0 =	sne.s32 s0, $0x50  }
.Ltmp4:
0x55: {  	_ = 	snop;
	(pc) =	sbr.rel @!p0 .LBB2_12-.Ltmp4, $1  }
0x56: {  	_ =	sdelay $0x3  }
.LBB2_4:
0x57: {  	s22 =	sand.u32 $0x1, s0  }
0x58: {  	p0 =	seq.s32 s22, $0x1  }
.Ltmp5:
0x59: {  	_ = 	snop;
	(pc) =	sbr.rel @p0 .LBB2_8-.Ltmp5, $1  }
0x5a: {  	_ =	sdelay $0x3  }
0x5b: {  	p0 =	seq.s32 s0, $0x0  }
0x5c: {  	s7 =	simm.s32 @!p0 $0x4  }
0x5d: {  	s9 =	sadd.s32 s6, s0;
	_ =	swait.ge @!p0 [sflag:s7], $0x2710  }
0x5e: {  	s9 =	sshll.u32 s9, $0x5;
	[sflag:s7] =	ssyncset.done @!p0 $0x0  }
0x5f: {  	s12 =	simm.s32 $0x0;
	s11 =	sadd.s32 s9, s8;
	[sflag:s7] =	ssyncadd.s32 @!p0 $0xFFFFD8F0  }
0x60: {  	[tilespmem:s30], [sflag:$0x5] =	stream.linear.gather [hbm4b:s11+s12], $0x100, $0x38;
	[tilespmem:$0x12310] =	vst v63  }
0x61: {  	_ =	swait.ge [sflag:s19], $0x100  }
0x62: {  	[sflag:s19] =	ssyncset.done $0x0  }
0x63: {  	[sflag:s19] =	ssyncadd.s32 $0xFFFFFF00  }
0x64: {  	[tilespmem:s28], [sflag:$0x2] =	stream.indirect.gather [hbm4b:s5+s20], $0x50, s30, s20, $0xb8;
	[tilespmem:$0x12310] =	vst v63  }
0x65: {  	_ = 	snop  }
0x66: {  	[tilespmem:s31], [sflag:$0x2] =	stream.indirect.gather [hbm4b:s2+s20], $0x10, s26, s20, $0xb8;
	[tilespmem:$0x12310] =	vst v63  }
0x67: {  	_ =	swait.ge [sflag:s1], $0x2710  }
0x68: {  	[sflag:s1] =	ssyncset.done $0x0  }
0x69: {  	[sflag:s1] =	ssyncadd.s32 $0xFFFFD8F0  }
0x6a: {  	_ =	swait.ge [sflag:s1], $0x7D0  }
0x6b: {  	[sflag:s1] =	ssyncset.done $0x0  }
0x6c: {  	s7 =	simm.s32 $0x220;
	[sflag:s1] =	ssyncadd.s32 $0xFFFFF830  }
0x6d: {  	s9 =	simm.s32 $0x220;
	s12 =	simm.s32 $0x0;
	s11 =	simm.s32 $0x40;
	v1 =	vld [tilespmem:s7+$0x20]  }
.LBB2_6:
0x6e: {  	p0 =	sne.s32 s11, $0x1F00;
	v2 =	vld [tilespmem:s12+$0x5020];
	_ =	sdelay $0x4  }
0x6f: {  	v1 =	vadd.f32 v2, v1;
	_ =	sdelay $0x1  }
0x70: {  	v2 =	vmul.f32 $2.000000030e-01, v1;
	_ =	sdelay $0x1  }
0x71: {  	v1 =	vmax.f32 v1, v2  }
0x72: {  	v1 =	vmul.f32 $1.442695020e+00, v1;
	_ =	sdelay $0x1  }
0x73: {  	(erf) = vpow2.f32 v1;
	_ =	sdelay $0x2  }
0x74: {  	v1 =	vld [tilespmem:s7+$0xFFFFFFF0]  }
0x75: {  	v2 =	vld [tilespmem:s7+$0x10]  }
0x76: {  	v3 =	vld [tilespmem:s7+$0xFFFFFFE0]  }
0x77: {  	v4 =	vld [tilespmem:s7+$0x0];
	_ =	sdelay $0x2  }
0x78: {  	v5 =	vpop (erf)  }
0x79: {  	v3 =	vmul.f32 v5, v3;
	v1 =	vmul.f32 v5, v1;
	[tilespmem:s7+$0x20] =	vst v5  }
.Ltmp6:
0x7a: {  	v2 =	vmul.f32 v2, v5;
	v4 =	vmul.f32 v5, v4;
	(pc) =	sbr.rel @p0 .LBB2_6-.Ltmp6, $4  }
0x7b: {  	[tilespmem:s7+$0xFFFFFFE0] =	vst v3  }
0x7c: {  	[tilespmem:s7+$0xFFFFFFF0] =	vst v1  }
0x7d: {  	s7 =	sadd.s32 $0x50, s7;
	[tilespmem:s9+$0x0] =	vst v4  }
0x7e: {  	s12 =	sshra.s32 s11, $0x2;
	s11 =	sadd.s32 $0x40, s11;
	v1 =	vld [tilespmem:s7+$0x20];
	[tilespmem:s9+$0x10] =	vst v2;
	s9 =	smov.u32 s7  }
0x7f: {  	v2 =	vld [tilespmem:s12+$0x5020];
	_ =	sdelay $0x4  }
0x80: {  	v1 =	vadd.f32 v2, v1;
	_ =	sdelay $0x1  }
0x81: {  	v2 =	vmul.f32 $2.000000030e-01, v1;
	_ =	sdelay $0x1  }
0x82: {  	v1 =	vmax.f32 v1, v2  }
0x83: {  	v1 =	vmul.f32 $1.442695020e+00, v1;
	_ =	sdelay $0x1  }
0x84: {  	(erf) = vpow2.f32 v1;
	_ =	sdelay $0x4  }
0x85: {  	v1 =	vld [tilespmem:s7+$0xFFFFFFE0]  }
0x86: {  	v2 =	vld [tilespmem:s7+$0xFFFFFFF0]  }
0x87: {  	v3 =	vld [tilespmem:s7+$0x0]  }
0x88: {  	v4 =	vld [tilespmem:s7+$0x10]  }
0x89: {  	v5 =	vpop (erf)  }
0x8a: {  	v1 =	vmul.f32 v5, v1  }
0x8b: {  	p0 =	seq.s32 s22, $0x0;
	v2 =	vmul.f32 v5, v2;
	[tilespmem:s7+$0x20] =	vst v5  }
.Ltmp7:
0x8c: {  	v3 =	vmul.f32 v5, v3;
	[tilespmem:s7+$0xFFFFFFE0] =	vst v1;
	(pc) =	sbr.rel @p0 .LBB2_11-.Ltmp7, $4  }
0x8d: {  	v1 =	vmul.f32 v4, v5;
	[tilespmem:s7+$0xFFFFFFF0] =	vst v2  }
0x8e: {  	[tilespmem:s9+$0x0] =	vst v3  }
0x8f: {  	[tilespmem:s9+$0x10] =	vst v1  }
0x90: {  	[spmem:s3] =	stream.indirect.scatter.add.f32 [tilespmem:s18], [sflag:$0x3], $0x50, s21, s20, $0xb8;
	[tilespmem:$0x12310] =	vst v63  }
.LBB2_8:
0x91: {  	p0 =	seq.s32 s0, $0x4F  }
0x92: {  	_ =	swait.ge [sflag:s23], $0x2710;
	s7 =	sadd.s32 @!p0 s6, s0  }
0x93: {  	[sflag:s23] =	ssyncset.done $0x0;
	s7 =	sshll.u32 @!p0 s7, $0x5  }
0x94: {  	s9 =	simm.s32 @!p0 $0x0;
	[sflag:s23] =	ssyncadd.s32 $0xFFFFD8F0;
	s7 =	sadd.s32 @!p0 s7, s8  }
0x95: {  	[tilespmem:s9], [sflag:$0x5] =	stream.linear.gather @!p0 [hbm4b:s7+s9], $0x100, $0x38;
	[tilespmem:$0x12310] =	vst v63  }
0x96: {  	s7 =	simm.s32 @!p0 $0x5  }
0x97: {  	_ =	swait.ge @!p0 [sflag:s7], $0x100  }
0x98: {  	[sflag:s7] =	ssyncset.done @!p0 $0x0  }
0x99: {  	s11 =	simm.s32 @!p0 $0x200;
	[sflag:s7] =	ssyncadd.s32 @!p0 $0xFFFFFF00;
	s7 =	simm.s32 @!p0 $0x7D  }
0x9a: {  	[tilespmem:s11], [sflag:$0x1] =	stream.indirect.gather @!p0 [hbm4b:s5+s7], $0x50, s9, s7, $0xb8;
	[tilespmem:$0x12310] =	vst v63  }
0x9b: {  	s9 =	simm.s32 @!p0 $0x80;
	s11 =	simm.s32 @!p0 $0x5020  }
0x9c: {  	[tilespmem:s11], [sflag:$0x1] =	stream.indirect.gather @!p0 [hbm4b:s2+s7], $0x10, s9, s7, $0xb8;
	[tilespmem:$0x12310] =	vst v63  }
0x9d: {  	_ =	swait.ge [sflag:s24], $0x2710  }
0x9e: {  	[sflag:s24] =	ssyncset.done $0x0  }
0x9f: {  	[sflag:s24] =	ssyncadd.s32 $0xFFFFD8F0  }
0xa0: {  	_ =	swait.ge [sflag:s24], $0x7D0  }
0xa1: {  	[sflag:s24] =	ssyncset.done $0x0  }
0xa2: {  	s7 =	simm.s32 $0x2930;
	[sflag:s24] =	ssyncadd.s32 $0xFFFFF830  }
0xa3: {  	s12 =	simm.s32 $0x0;
	s11 =	simm.s32 $0x40;
	s9 =	simm.s32 $0x2930;
	v1 =	vld [tilespmem:s7+$0x20]  }
.LBB2_9:
0xa4: {  	p0 =	sne.s32 s11, $0x1F00;
	v2 =	vld [tilespmem:s12+$0x57F0];
	_ =	sdelay $0x4  }
0xa5: {  	v1 =	vadd.f32 v2, v1;
	_ =	sdelay $0x1  }
0xa6: {  	v2 =	vmul.f32 $2.000000030e-01, v1;
	_ =	sdelay $0x1  }
0xa7: {  	v1 =	vmax.f32 v1, v2  }
0xa8: {  	v1 =	vmul.f32 $1.442695020e+00, v1;
	_ =	sdelay $0x1  }
0xa9: {  	(erf) = vpow2.f32 v1;
	_ =	sdelay $0x2  }
0xaa: {  	v1 =	vld [tilespmem:s7+$0xFFFFFFF0]  }
0xab: {  	v2 =	vld [tilespmem:s7+$0x10]  }
0xac: {  	v3 =	vld [tilespmem:s7+$0xFFFFFFE0]  }
0xad: {  	v4 =	vld [tilespmem:s7+$0x0];
	_ =	sdelay $0x2  }
0xae: {  	v5 =	vpop (erf)  }
0xaf: {  	v3 =	vmul.f32 v5, v3;
	v1 =	vmul.f32 v5, v1;
	[tilespmem:s7+$0x20] =	vst v5  }
.Ltmp8:
0xb0: {  	v2 =	vmul.f32 v2, v5;
	v4 =	vmul.f32 v5, v4;
	(pc) =	sbr.rel @p0 .LBB2_9-.Ltmp8, $4  }
0xb1: {  	[tilespmem:s7+$0xFFFFFFE0] =	vst v3  }
0xb2: {  	[tilespmem:s7+$0xFFFFFFF0] =	vst v1  }
0xb3: {  	s7 =	sadd.s32 $0x50, s7;
	[tilespmem:s9+$0x0] =	vst v4  }
0xb4: {  	s12 =	sshra.s32 s11, $0x2;
	s11 =	sadd.s32 $0x40, s11;
	v1 =	vld [tilespmem:s7+$0x20];
	[tilespmem:s9+$0x10] =	vst v2;
	s9 =	smov.u32 s7  }
0xb5: {  	v2 =	vld [tilespmem:s12+$0x57F0];
	_ =	sdelay $0x4  }
0xb6: {  	v1 =	vadd.f32 v2, v1;
	_ =	sdelay $0x1  }
0xb7: {  	v2 =	vmul.f32 $2.000000030e-01, v1;
	_ =	sdelay $0x1  }
0xb8: {  	v1 =	vmax.f32 v1, v2  }
0xb9: {  	v1 =	vmul.f32 $1.442695020e+00, v1;
	_ =	sdelay $0x1  }
0xba: {  	(erf) = vpow2.f32 v1;
	_ =	sdelay $0x4  }
0xbb: {  	v1 =	vld [tilespmem:s7+$0xFFFFFFE0]  }
0xbc: {  	v2 =	vld [tilespmem:s7+$0xFFFFFFF0]  }
0xbd: {  	v3 =	vld [tilespmem:s7+$0x0]  }
0xbe: {  	v4 =	vld [tilespmem:s7+$0x10]  }
0xbf: {  	v5 =	vpop (erf)  }
0xc0: {  	v1 =	vmul.f32 v5, v1  }
0xc1: {  	v2 =	vmul.f32 v5, v2;
	[tilespmem:s7+$0x20] =	vst v5  }
.Ltmp9:
0xc2: {  	v3 =	vmul.f32 v5, v3;
	[tilespmem:s7+$0xFFFFFFE0] =	vst v1;
	(pc) =	sbr.rel .LBB2_11-.Ltmp9, $4  }
0xc3: {  	v1 =	vmul.f32 v4, v5;
	[tilespmem:s7+$0xFFFFFFF0] =	vst v2  }
0xc4: {  	[tilespmem:s9+$0x0] =	vst v3  }
0xc5: {  	[tilespmem:s9+$0x10] =	vst v1  }
0xc6: {  	[spmem:s3] =	stream.indirect.scatter.add.f32 [tilespmem:s28], [sflag:$0x4], $0x50, s26, s20, $0xb8;
	[tilespmem:$0x12310] =	vst v63  }
.LBB2_13:
0xc7: {  	_ =	sfence.sel $0x180000  }
0xc8: {  	[bflag:$0x0] =	sbarrier.arrive $0xFFFF  }
0xc9: {  	_ =	strace $0x9000004A  }
0xca: {  	s0 =	stileid.u32;
	[bflag:$0x2] =	sbarrier.arrive $0xFFFF  }
0xcb: {  	p0 =	sne.s32 s0, $0x0;
	s0 =	rddreg [dreg:$0x3]  }
0xcc: {  	s0 =	sadd.s32 @!p0 $0x100000, s0  }
0xcd: {  	[sflag:s0] =	ssyncadd.tile.s32 @!p0 $0x1;
	_ =	shalt  }
.Lfunc_end2:
_tile_overlayer_lowered:
.L_overlay_start_2:
0xce: {  	(tag) =	ssettag $0x2  }
0xcf: {  	s0 =	rddreg [dreg:$0x0];
	s2 =	stileid.u32  }
0xd0: {  	s1 =	rddreg [dreg:$0x1];
	p0 =	sne.s32 s2, $0x0  }
0xd1: {  	s3 =	rddreg [dreg:$0x2];
	[bflag:$0x3] =	sbarrier.arrive $0xFFFF;
	s2 =	simm.s32 @!p0 $0x1C05  }
0xd2: {  	[timem:s3], [sflag:s2] =	dma.local @!p0 [hbm:s0], s1  }
0xd3: {  	s0 =	simm.s32 @!p0 $0x5  }
0xd4: {  	_ =	swait.ge @!p0 [sflag:s0], s1  }
0xd5: {  	s1 =	ssub.s32 @!p0 $0x0, s1;
	[sflag:s0] =	ssyncset.done @!p0 $0x0  }
0xd6: {  	[sflag:s0] =	ssyncadd.s32 @!p0 s1  }
0xd7: {  	[bflag:$0x3] =	sbarrier.arrive $0xFFFF  }
0xd8: {  	_ =	shalt  }

// kernel: kernel.7.cloned.1.call-start
scs
__scs_entry_jumppad:
0x0: {  	(pc) =	sbr.rel $0x88, $3  }
0x1: {  	(tag) =	ssettag $0x0;
	lr =	simm.s32 $0x1  }
0x2: {  	[smem:$0x3F97] =	sst lr;
	_ =	strace $0xD0000000  }
0x3: {  	_ = 	snop  }
0x4: {  	_ = 	snop  }
0x5: {  	_ = 	snop  }
0x6: {  	_ = 	snop  }
0x7: {  	_ = 	snop  }
__scs_overlays_trampoline_lowered:
0x8: {  	[smem:$0x3FA6] =	sst s0  }
0x9: {  	[smem:$0x3FA7] =	sst s1  }
0xa: {  	[smem:$0x3FA8] =	sst s2  }
0xb: {  	[smem:$0x3FA9] =	sst s3  }
0xc: {  	[smem:$0x3FAA] =	sst s4  }
0xd: {  	[smem:$0x3FAB] =	sst s5  }
0xe: {  	[smem:$0x3FAC] =	sst s6  }
0xf: {  	[smem:$0x3FAD] =	sst s7  }
0x10: {  	[smem:$0x3FAE] =	sst s8  }
0x11: {  	[smem:$0x3FAF] =	sst s9;
	s0 =	simm.s32 @!p0 $0x0  }
0x12: {  	s1 =	sld [smem:$0x3F95];
	s0 =	simm.s32 @p0 $0x1  }
0x13: {  	[smem:$0x3FB0] =	sst s0;
	s0 =	simm.s32 @!p1 $0x0  }
0x14: {  	s2 =	sld [smem:$0x3F94];
	s0 =	simm.s32 @p1 $0x1  }
0x15: {  	[smem:$0x3FB1] =	sst s0;
	s0 =	simm.s32 @!p2 $0x0  }
0x16: {  	s3 =	sld [smem:$0x3FDB];
	s0 =	simm.s32 @p2 $0x1  }
0x17: {  	s4 =	simm.s32 $0x1BF5;
	[smem:$0x3FB3] =	sst s0  }
0x18: {  	s0 =	sld [smem:$0x3F96];
	_ =	swait.ge [sflag:s4], $0x0  }
0x19: {  	s7 =	sld [smem:$0x3F97]  }
0x1a: {  	s8 =	sadd.s32 $0xFFFFE003, lr  }
0x1b: {  	s9 =	sadd.s32 $0xFFFFFEF7, lr;
	s5 =	simm.s32 $0xFFFFFFFF;
	p2 =	slt.u32 s8, $0xFFFFF086  }
0x1c: {  	p1 =	slt.u32 s9, $0xF7A;
	s5 =	simm.s32 @!p2 $0x0  }
0x1d: {  	s5 =	simm.s32 @p1 $0x1;
	p0 =	seq.s32 s7, s2  }
0x1e: {  	s7 =	smul.u32 @!p0 $0xF7A, s2;
	p2 =	seq.s32 @!p0 s5, $0x0  }
0x1f: {  	s9 =	smul.u32 $0xF7A, s1;
	s8 =	simm.s32 @!p0 $0x1BF5;
	p2 =	por !p2, p0  }
0x20: {  	[sflag:s8] =	ssyncset.s32 @!p0 $0xFFFFF086;
	s6 =	sadd.s32 @!p0 s3, s7;
	s7 =	simm.s32 @!p0 $0x108  }
0x21: {  	s3 =	sadd.s32 s3, s9;
	s6 =	sadd.s32 @!p0 $0x88, s6;
	s7 =	simm.s32 @p2 $0x1082  }
0x22: {  	[simem:s7], [sflag:s8] =	dma.local @!p0 [hbm:s6], $0xF7A  }
0x23: {  	s9 =	sor.u32 $0xD0000000, s2;
	s6 =	simm.s32 $0x108;
	_ =	swait.ge @!p0 [sflag:s8], $0x0  }
0x24: {  	s3 =	sadd.s32 $0x88, s3;
	s6 =	simm.s32 @!p1 $0x1082;
	[sflag:s4] =	ssyncset.s32 $0xFFFFF086  }
0x25: {  	[simem:s6], [sflag:s4] =	dma.local [hbm:s3], $0xF7A  }
0x26: {  	[smem:$0x3F97] =	sst s1;
	(tag) =	ssettag s2;
	_ =	strace s9  }
0x27: {  	s1 =	sld [smem:$0x3FA7]  }
0x28: {  	s2 =	sld [smem:$0x3FA8]  }
0x29: {  	s4 =	sld [smem:$0x3FAA]  }
0x2a: {  	p0 =	seq.s32 s5, $0x0;
	s5 =	sld [smem:$0x3FAB]  }
0x2b: {  	s6 =	sld [smem:$0x3FAC]  }
0x2c: {  	s7 =	sld [smem:$0x3FAD]  }
0x2d: {  	s3 =	simm.s32 $0x108;
	s8 =	sld [smem:$0x3FAE]  }
0x2e: {  	s3 =	simm.s32 @!p0 $0x1082;
	s9 =	sld [smem:$0x3FAF]  }
0x2f: {  	lr =	sadd.s32 s0, s3;
	s0 =	sld [smem:$0x3FA6]  }
0x30: {  	s3 =	sld [smem:$0x3FA9]  }
0x31: {  	[smem:$0x3FB2] =	sst s10  }
0x32: {  	s10 =	sld [smem:$0x3FB0];
	_ =	sdelay $0x3  }
0x33: {  	p0 =	seq.s32 s10, $0x1;
	s10 =	sld [smem:$0x3FB2];
	_ =	sdelay $0x3  }
0x34: {  	[smem:$0x3FB2] =	sst s10  }
0x35: {  	s10 =	sld [smem:$0x3FB1];
	_ =	sdelay $0x3  }
0x36: {  	p1 =	seq.s32 s10, $0x1;
	s10 =	sld [smem:$0x3FB2];
	_ =	sdelay $0x3  }
0x37: {  	[smem:$0x3FB2] =	sst s10  }
0x38: {  	s10 =	sld [smem:$0x3FB3]  }
0x39: {  	_ = 	snop;
	(pc) =	sbr.ind lr, $3  }
0x3a: {  	_ = 	snop  }
0x3b: {  	_ = 	snop  }
0x3c: {  	p2 =	seq.s32 s10, $0x1;
	s10 =	sld [smem:$0x3FB2]  }
0x3d: {  	_ =	shalt  }
0x3e: {  	_ =	shalt  }
0x3f: {  	_ =	shalt  }
0x40: {  	_ =	shalt  }
0x41: {  	_ =	shalt  }
0x42: {  	_ =	shalt  }
0x43: {  	_ =	shalt  }
0x44: {  	_ =	shalt  }
0x45: {  	_ =	shalt  }
0x46: {  	_ =	shalt  }
0x47: {  	_ =	shalt  }
0x48: {  	_ =	shalt  }
0x49: {  	_ =	shalt  }
0x4a: {  	_ =	shalt  }
0x4b: {  	_ =	shalt  }
0x4c: {  	_ =	shalt  }
0x4d: {  	_ =	shalt  }
0x4e: {  	_ =	shalt  }
0x4f: {  	_ =	shalt  }
0x50: {  	_ =	shalt  }
0x51: {  	_ =	shalt  }
0x52: {  	_ =	shalt  }
0x53: {  	_ =	shalt  }
0x54: {  	_ =	shalt  }
0x55: {  	_ =	shalt  }
0x56: {  	_ =	shalt  }
0x57: {  	_ =	shalt  }
0x58: {  	_ =	shalt  }
0x59: {  	_ =	shalt  }
0x5a: {  	_ =	shalt  }
0x5b: {  	_ =	shalt  }
0x5c: {  	_ =	shalt  }
0x5d: {  	_ =	shalt  }
0x5e: {  	_ =	shalt  }
0x5f: {  	_ =	shalt  }
0x60: {  	_ =	shalt  }
0x61: {  	_ =	shalt  }
0x62: {  	_ =	shalt  }
0x63: {  	_ =	shalt  }
0x64: {  	_ =	shalt  }
0x65: {  	_ =	shalt  }
0x66: {  	_ =	shalt  }
0x67: {  	_ =	shalt  }
0x68: {  	_ =	shalt  }
0x69: {  	_ =	shalt  }
0x6a: {  	_ =	shalt  }
0x6b: {  	_ =	shalt  }
0x6c: {  	_ =	shalt  }
0x6d: {  	_ =	shalt  }
0x6e: {  	_ =	shalt  }
0x6f: {  	_ =	shalt  }
0x70: {  	_ =	shalt  }
0x71: {  	_ =	shalt  }
0x72: {  	_ =	shalt  }
0x73: {  	_ =	shalt  }
0x74: {  	_ =	shalt  }
0x75: {  	_ =	shalt  }
0x76: {  	_ =	shalt  }
0x77: {  	_ =	shalt  }
0x78: {  	_ =	shalt  }
0x79: {  	_ =	shalt  }
0x7a: {  	_ =	shalt  }
0x7b: {  	_ =	shalt  }
0x7c: {  	_ =	shalt  }
0x7d: {  	_ =	shalt  }
0x7e: {  	_ =	shalt  }
0x7f: {  	_ =	shalt  }
0x80: {  	_ =	shalt  }
0x81: {  	_ =	shalt  }
0x82: {  	_ =	shalt  }
0x83: {  	_ =	shalt  }
0x84: {  	_ =	shalt  }
0x85: {  	_ =	shalt  }
0x86: {  	_ =	shalt  }
0x87: {  	_ =	shalt  }
.Lfunc_end0:
.L_simem_size_0:
called_computation_lowered:
.L_overlay_start_0:
0x88: {  	s2 =	sld [smem:$0x3FD9]  }
0x89: {  	s3 =	sld [smem:$0x3FFE];
	_ =	sdelay $0x1  }
0x8a: {  	s1 =	srdreg.scid  }
0x8b: {  	s0 =	sand.u32 $0x1, s1  }
0x8c: {  	s17 =	sshll.u32 s0, $0xA;
	s2 =	sadd.s32 s3, s2  }
0x8d: {  	s2 =	sadd.s32 s2, s17  }
0x8e: {  	[smem:$0x3FBE] =	sst s2  }
0x8f: {  	_ = 	snop  }
0x90: {  	s2 =	sld [smem:$0x3FD0];
	(tm) =	ssettm $0x1  }
0x91: {  	s18 =	sld [smem:$0x3FFB];
	_ =	sdelay $0x3  }
0x92: {  	_ =	strace s18  }
0x93: {  	s3 =	sld [smem:$0x3FFC];
	_ =	sdelay $0x3  }
0x94: {  	_ =	strace s3  }
0x95: {  	s3 =	sld [smem:$0x3FFD];
	_ =	sdelay $0x3  }
0x96: {  	_ =	strace s3  }
0x97: {  	_ =	strace $0x8FFFFFFF  }
0x98: {  	s19 =	sld [smem:$0x3FDB];
	_ =	sdelay $0x1  }
0x99: {  	s4 =	simm.s32 $_scs_section_size  }
0x9a: {  	s5 =	simm.s32 $_size__tile_overlayer_lowered;
	s6 =	simm.s32 $_tile_overlayer_lowered  }
0x9b: {  	s22 =	simm.s32 $0x1BFF;
	s21 =	sshll.u32 s6, $0x1;
	s3 =	sadd.s32 s4, s19  }
0x9c: {  	s7 =	simm.s32 $0x0;
	s20 =	sshll.u32 s5, $0x1;
	s5 =	sadd.s32 s21, s3  }
0x9d: {  	[timem:s7], [sflag:s22] =	dma.local [hbm:s5], s20  }
0x9e: {  	_ =	swait.ge [sflag:s22], s20  }
0x9f: {  	s4 =	ssub.s32 $0x0, s20;
	[sflag:s22] =	ssyncset.done $0x0  }
0xa0: {  	[sflag:s22] =	ssyncadd.s32 s4;
	_ =	sdelay $0x1  }
0xa1: {  	s23 =	simm.s32 $0x1B8B  }
0xa2: {  	_ =	swait.ge [sflag:s23], $0x1  }
0xa3: {  	[sflag:s23] =	ssyncset.done $0x0  }
0xa4: {  	s25 =	simm.s32 $0x1B8E;
	s24 =	sld [smem:$0x3FFE];
	[sflag:s23] =	ssyncadd.s32 $0xFFFFFFFF  }
0xa5: {  	s26 =	simm.s32 $execute0_lowered;
	[smem:$0x3FD2] =	sst s25  }
0xa6: {  	s5 =	sshll.u32 s26, $0x1;
	_ =	strace $0x80000046;
	[dreg:$0x1] =	wrdreg $0xFFFFFFFF  }
0xa7: {  	s28 =	simm.s32 $_size_execute0_lowered;
	s3 =	sadd.s32 s3, s5;
	[dreg:$0x0] =	wrdreg $0x0  }
0xa8: {  	s5 =	sshll.u32 s28, $0x1;
	[dreg:$0x2] =	wrdreg s3  }
0xa9: {  	[dreg:$0x3] =	wrdreg s5  }
0xaa: {  	[dreg:$0x4] =	wrdreg $0xC0  }
0xab: {  	_ =	task [dreg:s7], $0x5FFFF  }
0xac: {  	[dreg:$0x1] =	wrdreg $0xFFFFFFFF  }
0xad: {  	[dreg:$0x0] =	wrdreg $0x60  }
0xae: {  	[dreg:$0x2] =	wrdreg s24  }
0xaf: {  	[dreg:$0x3] =	wrdreg s2  }
0xb0: {  	[dreg:$0x4] =	wrdreg $0x9E400  }
0xb1: {  	[dreg:$0x5] =	wrdreg $0x9  }
0xb2: {  	_ =	task.clear_ibuf [dreg:s7], $0x6FFFF;
	_ =	strace $0x90000046  }
0xb3: {  	s29 =	simm.s32 $0x9;
	_ =	strace $0x80000048  }
0xb4: {  	_ =	swait.ge [sflag:s29], $0x1  }
0xb5: {  	[sflag:s29] =	ssyncadd.s32 $0xFFFFFFFF  }
0xb6: {  	_ =	strace $0x90000048  }
0xb7: {  	_ =	sfence  }
0xb8: {  	s30 =	sld [smem:$0x0];
	_ =	sdelay $0x2  }
0xb9: {  	s31 =	sshll.u32 s1, $0xD;
	s1 =	sshrl.u32 s1, $0x2  }
0xba: {  	s3 =	sand.u32 $0x4000, s31;
	s1 =	sadd.s32 s1, s30  }
0xbb: {  	s0 =	sor.u32 s3, s0;
	s1 =	sshll.u32 s1, $0x11  }
0xbc: {  	s0 =	sor.u32 s1, s0  }
0xbd: {  	s0 =	sadd.s32 $0x8F2B, s0  }
0xbe: {  	[sflag:s0] =	ssyncadd.remote.s32 $0x1  }
0xbf: {  	_ =	sfence.sel $0xFFFF  }
0xc0: {  	[dreg:$0x0] =	wrdreg $0xFFFFFFFF;
	(pc) =	sbr.abs _section_cstart, $3  }
0xc1: {  	[dreg:$0x1] =	wrdreg $0xFFFFFFFF  }
0xc2: {  	_ =	task.clear_ibuf [dreg:s7], $0x2FFFF;
	_ =	strace $0x9FFFFFFF  }
0xc3: {  	(tm) =	ssettm $0x7FFFFFFF  }
tec
execute0_lowered:
.L_overlay_start_1:
0x0: {  	(tag) =	ssettag $0x1  }
0x1: {  	s0 =	rddreg [dreg:$0x0]  }
0x2: {  	s1 =	srdreg.scid;
	s2 =	rddreg [dreg:$0x1]  }
0x3: {  	s5 =	stileid.u32;
	s3 =	rddreg [dreg:$0x2];
	s18 =	simm.s32 $0x200  }
0x4: {  	s19 =	simm.s32 $0x5;
	s23 =	simm.s32 $0x3;
	s24 =	simm.s32 $0x2  }
0x5: {  	s28 =	simm.s32 $0x4850;
	s29 =	simm.s32 $0x4;
	s30 =	simm.s32 $0x100  }
0x6: {  	s1 =	sand.u32 $0x1, s1;
	s4 =	sshll.u32 s5, $0x1;
	s5 =	smul.u32 $0x278, s5  }
0x7: {  	s31 =	simm.s32 $0x9670;
	s6 =	sor.u32 s1, s4;
	s9 =	smul.u32 $0x15F900, s1  }
0x8: {  	s4 =	simm.s32 $0x0;
	s1 =	ssub.s32 $0x2, s1;
	s7 =	smul.u32 $0xA00, s6  }
0x9: {  	s8 =	smin.u32 s5, $0x2498;
	[smem:$0x7FF] =	sst s4;
	s6 =	smul.u32 $0x50, s6  }
0xa: {  	s5 =	sadd.s32 $0x1400, s0;
	s11 =	sshrl.u32 s1, $0x1;
	s10 =	smul.u32 $0x90, s8  }
0xb: {  	_ =	strace $0x80000047;
	s12 =	smul.u32 $0x240, s8;
	s1 =	ssub.s32 s1, s11  }
0xc: {  	s8 =	sadd.s32 $0x2D420, s0;
	s7 =	sadd.s32 s7, s0;
	s25 =	smax.u32 s1, $0x1  }
0xd: {  	s1 =	simm.s32 $0x1;
	s9 =	sadd.s32 s9, s10;
	s7 =	sadd.s32 $0x2D400, s7  }
0xe: {  	s20 =	sshrl.u32 s12, $0x2;
	s22 =	sadd.s32 s10, s3;
	[dreg:$0x6] =	wrdreg s25  }
0xf: {  	s9 =	sshrl.u32 s9, $0x3;
	[dreg:$0x4] =	wrdreg s7;
	s10 =	sadd.s32 s20, s3  }
.Ltmp0:
0x10: {  	s20 =	simm.s32 $0x7D;
	s25 =	sshrl.u32 s22, $0x3;
	(pc) =	sbr.rel .LBB2_1-.Ltmp0, $4  }
0x11: {  	s9 =	sadd.s32 s9, s0;
	s26 =	sadd.s32 $0x3600, s10;
	s13 =	sadd.s32 $0x6C00, s10  }
0x12: {  	s14 =	sadd.s32 $0xA200, s10;
	s15 =	sadd.s32 $0xD800, s10;
	s16 =	sadd.s32 $0x10E00, s10  }
0x13: {  	s17 =	sadd.s32 $0x12D80, s10;
	s21 =	sadd.s32 $0x41400, s9;
	[dreg:$0x7] =	wrdreg s26  }
0x14: {  	v0 =	vimm.f32 $0.0e+00;
	s26 =	simm.s32 $0x180;
	[dreg:$0x5] =	wrdreg s21;
	s21 =	simm.s32 $0x80  }
.LBB2_12:
0x15: {  	_ =	swait.ge [sflag:s29], $0x4650  }
0x16: {  	[sflag:s29] =	ssyncset.done $0x0  }
0x17: {  	s0 =	stileid.u32;
	[sflag:s29] =	ssyncadd.s32 $0xFFFFB9B0  }
0x18: {  	s0 =	sshll.u32 s0, $0x6;
	[bflag:$0x0] =	sbarrier.arrive $0xFFFF  }
0x19: {  	s0 =	sor.u32 $0x1C05, s0;
	s7 =	rddreg [dreg:$0x5]  }
0x1a: {  	[hbm:s7], [sflag:s0] =	dma.local [spmem:s25], $0x2C70  }
0x1b: {  	_ =	swait.ge [sflag:s19], $0x2C70  }
0x1c: {  	s4 =	sadd.s32 $0x1, s4;
	s22 =	rddreg [dreg:$0x6]  }
0x1d: {  	p0 =	sne.s32 s4, s22  }
.Ltmp1:
0x1e: {  	_ = 	snop;
	(pc) =	sbr.rel @!p0 .LBB2_13-.Ltmp1, $3  }
0x1f: {  	_ =	sdelay $0x1  }
0x20: {  	[sflag:s19] =	ssyncset.done $0x0  }
0x21: {  	[sflag:s19] =	ssyncadd.s32 $0xFFFFD390  }
.LBB2_1:
0x22: {  	s0 =	simm.s32 $0x0;
	s7 =	simm.s32 $0x240  }
.LBB2_2:
0x23: {  	p0 =	sne.s32 s7, $0x11700;
	[tilespmem:s0+$0x280] =	vst v0  }
0x24: {  	[tilespmem:s0+$0x200] =	vst v0  }
0x25: {  	[tilespmem:s0+$0x210] =	vst v0  }
0x26: {  	[tilespmem:s0+$0x220] =	vst v0  }
.Ltmp2:
0x27: {  	[tilespmem:s0+$0x230] =	vst v0;
	(pc) =	sbr.rel @p0 .LBB2_2-.Ltmp2, $4  }
0x28: {  	[tilespmem:s0+$0x240] =	vst v0  }
0x29: {  	[tilespmem:s0+$0x250] =	vst v0  }
0x2a: {  	[tilespmem:s0+$0x260] =	vst v0  }
0x2b: {  	[tilespmem:s0+$0x270] =	vst v0;
	s0 =	sshra.s32 s7, $0x2;
	s7 =	sadd.s32 $0x240, s7  }
0x2c: {  	[tilespmem:s0+$0x280] =	vst v0  }
0x2d: {  	[tilespmem:s0+$0x200] =	vst v0  }
0x2e: {  	[tilespmem:s0+$0x210] =	vst v0  }
0x2f: {  	[tilespmem:s0+$0x220] =	vst v0  }
0x30: {  	[tilespmem:s0+$0x230] =	vst v0  }
0x31: {  	[tilespmem:s0+$0x240] =	vst v0  }
0x32: {  	[tilespmem:s0+$0x250] =	vst v0  }
0x33: {  	[tilespmem:s0+$0x260] =	vst v0  }
0x34: {  	[tilespmem:s0+$0x270] =	vst v0  }
0x35: {  	[spmem:s10] =	stream.linear.scatter [tilespmem:s18], [sflag:$0x5], $0x3600, $0x38;
	[tilespmem:$0x1FDD0] =	vst v63  }
0x36: {  	_ =	swait.ge [sflag:s19], $0x3600  }
0x37: {  	[sflag:s19] =	ssyncset.done $0x0  }
0x38: {  	s12 =	rddreg [dreg:$0x7];
	[sflag:s19] =	ssyncadd.s32 $0xFFFFCA00  }
0x39: {  	[spmem:s12] =	stream.linear.scatter [tilespmem:s18], [sflag:$0x5], $0x3600, $0x38;
	[tilespmem:$0x1FDD0] =	vst v63  }
0x3a: {  	_ =	swait.ge [sflag:s19], $0x3600  }
0x3b: {  	[sflag:s19] =	ssyncset.done $0x0  }
0x3c: {  	[sflag:s19] =	ssyncadd.s32 $0xFFFFCA00  }
0x3d: {  	[spmem:s13] =	stream.linear.scatter [tilespmem:s18], [sflag:$0x5], $0x3600, $0x38;
	[tilespmem:$0x1FDD0] =	vst v63  }
0x3e: {  	_ =	swait.ge [sflag:s19], $0x3600  }
0x3f: {  	[sflag:s19] =	ssyncset.done $0x0  }
0x40: {  	[sflag:s19] =	ssyncadd.s32 $0xFFFFCA00  }
0x41: {  	[spmem:s14] =	stream.linear.scatter [tilespmem:s18], [sflag:$0x5], $0x3600, $0x38;
	[tilespmem:$0x1FDD0] =	vst v63  }
0x42: {  	_ =	swait.ge [sflag:s19], $0x3600  }
0x43: {  	[sflag:s19] =	ssyncset.done $0x0  }
0x44: {  	[sflag:s19] =	ssyncadd.s32 $0xFFFFCA00  }
0x45: {  	[spmem:s15] =	stream.linear.scatter [tilespmem:s18], [sflag:$0x5], $0x3600, $0x38;
	[tilespmem:$0x1FDD0] =	vst v63  }
0x46: {  	_ =	swait.ge [sflag:s19], $0x3600  }
0x47: {  	[sflag:s19] =	ssyncset.done $0x0  }
0x48: {  	[sflag:s19] =	ssyncadd.s32 $0xFFFFCA00  }
0x49: {  	[spmem:s16] =	stream.linear.scatter [tilespmem:s18], [sflag:$0x5], $0x3600, $0x38;
	[tilespmem:$0x1FDD0] =	vst v63  }
0x4a: {  	_ =	swait.ge [sflag:s19], $0x3600  }
0x4b: {  	[sflag:s19] =	ssyncset.done $0x0  }
0x4c: {  	[sflag:s19] =	ssyncadd.s32 $0xFFFFCA00  }
0x4d: {  	[spmem:s17] =	stream.linear.scatter [tilespmem:s18], [sflag:$0x5], $0x3600, $0x38;
	[tilespmem:$0x1FDD0] =	vst v63  }
0x4e: {  	_ =	swait.ge [sflag:s19], $0x3600  }
0x4f: {  	[sflag:s19] =	ssyncset.done $0x0  }
0x50: {  	[sflag:s19] =	ssyncadd.s32 $0xFFFFCA00  }
0x51: {  	[bflag:$0x0] =	sbarrier.arrive $0xFFFF  }
0x52: {  	s0 =	simm.s32 $0x0;
	s7 =	rddreg [dreg:$0x4]  }
0x53: {  	[tilespmem:s0], [sflag:$0x5] =	stream.linear.gather [hbm4b:s7+s0], $0x100, $0x38;
	[tilespmem:$0x1FDD0] =	vst v63  }
0x54: {  	_ =	swait.ge [sflag:s19], $0x100  }
.Ltmp3:
0x55: {  	[sflag:s19] =	ssyncset.done $0x0;
	(pc) =	sbr.rel .LBB2_4-.Ltmp3, $4  }
0x56: {  	[sflag:s19] =	ssyncadd.s32 $0xFFFFFF00  }
0x57: {  	[tilespmem:s18], [sflag:$0x1] =	stream.indirect.gather [hbm4b:s5+s20], $0x90, s0, s20, $0xb8;
	[tilespmem:$0x1FDD0] =	vst v63  }
0x58: {  	s22 =	simm.s32 $0x8EA0  }
0x59: {  	[tilespmem:s22], [sflag:$0x1] =	stream.indirect.gather [hbm4b:s2+s20], $0x10, s21, s20, $0xb8;
	[tilespmem:$0x1FDD0] =	vst v63  }
.LBB2_11:
0x5a: {  	s0 =	sadd.s32 $0x1, s0  }
0x5b: {  	p0 =	sne.s32 s0, $0x50  }
.Ltmp4:
0x5c: {  	_ = 	snop;
	(pc) =	sbr.rel @!p0 .LBB2_12-.Ltmp4, $1  }
0x5d: {  	_ =	sdelay $0x3  }
.LBB2_4:
0x5e: {  	s22 =	sand.u32 $0x1, s0  }
0x5f: {  	p0 =	seq.s32 s22, $0x1  }
.Ltmp5:
0x60: {  	_ = 	snop;
	(pc) =	sbr.rel @p0 .LBB2_8-.Ltmp5, $1  }
0x61: {  	_ =	sdelay $0x3  }
0x62: {  	p0 =	seq.s32 s0, $0x0  }
0x63: {  	s7 =	simm.s32 @!p0 $0x4  }
0x64: {  	s9 =	sadd.s32 s6, s0;
	_ =	swait.ge @!p0 [sflag:s7], $0x4650  }
0x65: {  	s9 =	sshll.u32 s9, $0x5;
	[sflag:s7] =	ssyncset.done @!p0 $0x0  }
0x66: {  	s12 =	simm.s32 $0x0;
	s11 =	sadd.s32 s9, s8;
	[sflag:s7] =	ssyncadd.s32 @!p0 $0xFFFFB9B0  }
0x67: {  	[tilespmem:s30], [sflag:$0x5] =	stream.linear.gather [hbm4b:s11+s12], $0x100, $0x38;
	[tilespmem:$0x1FDD0] =	vst v63  }
0x68: {  	_ =	swait.ge [sflag:s19], $0x100  }
0x69: {  	[sflag:s19] =	ssyncset.done $0x0  }
0x6a: {  	[sflag:s19] =	ssyncadd.s32 $0xFFFFFF00  }
0x6b: {  	[tilespmem:s28], [sflag:$0x2] =	stream.indirect.gather [hbm4b:s5+s20], $0x90, s30, s20, $0xb8;
	[tilespmem:$0x1FDD0] =	vst v63  }
0x6c: {  	_ = 	snop  }
0x6d: {  	[tilespmem:s31], [sflag:$0x2] =	stream.indirect.gather [hbm4b:s2+s20], $0x10, s26, s20, $0xb8;
	[tilespmem:$0x1FDD0] =	vst v63  }
0x6e: {  	_ =	swait.ge [sflag:s1], $0x4650  }
0x6f: {  	[sflag:s1] =	ssyncset.done $0x0  }
0x70: {  	[sflag:s1] =	ssyncadd.s32 $0xFFFFB9B0  }
0x71: {  	_ =	swait.ge [sflag:s1], $0x7D0  }
0x72: {  	[sflag:s1] =	ssyncset.done $0x0  }
0x73: {  	s7 =	simm.s32 $0x240;
	[sflag:s1] =	ssyncadd.s32 $0xFFFFF830  }
0x74: {  	s9 =	simm.s32 $0x240;
	s12 =	simm.s32 $0x0;
	s11 =	simm.s32 $0x40;
	v1 =	vld [tilespmem:s7+$0x40]  }
.LBB2_6:
0x75: {  	p0 =	sne.s32 s11, $0x1F00;
	v2 =	vld [tilespmem:s12+$0x8EA0];
	_ =	sdelay $0x4  }
0x76: {  	v1 =	vadd.f32 v2, v1;
	_ =	sdelay $0x1  }
0x77: {  	v2 =	vmul.f32 $2.000000030e-01, v1;
	_ =	sdelay $0x1  }
0x78: {  	v1 =	vmax.f32 v1, v2  }
0x79: {  	v1 =	vmul.f32 $1.442695020e+00, v1;
	_ =	sdelay $0x1  }
0x7a: {  	(erf) = vpow2.f32 v1;
	_ =	sdelay $0x4  }
0x7b: {  	v1 =	vld [tilespmem:s7+$0xFFFFFFF0]  }
0x7c: {  	v2 =	vld [tilespmem:s7+$0xFFFFFFD0]  }
0x7d: {  	v3 =	vld [tilespmem:s7+$0xFFFFFFC0]  }
0x7e: {  	v4 =	vld [tilespmem:s7+$0xFFFFFFE0]  }
0x7f: {  	v5 =	vld [tilespmem:s7+$0x30];
	v6 =	vpop (erf)  }
0x80: {  	v7 =	vbroadcast v6, $0x0;
	v8 =	vbroadcast v6, $0x1;
	v9 =	vld [tilespmem:s7+$0x10];
	[tilespmem:s7+$0x40] =	vst v6  }
0x81: {  	v10 =	vbroadcast v6, $0x2;
	v11 =	vbroadcast v6, $0x3;
	v12 =	vld [tilespmem:s7+$0x0]  }
0x82: {  	v3 =	vmul.f32 v7, v3;
	v2 =	vmul.f32 v8, v2;
	v7 =	vld [tilespmem:s7+$0x20]  }
0x83: {  	v1 =	vmul.f32 v1, v11;
	v4 =	vmul.f32 v10, v4  }
0x84: {  	v8 =	vbroadcast v6, $0x5;
	[tilespmem:s7+$0xFFFFFFC0] =	vst v3;
	v3 =	vbroadcast v6, $0x4  }
0x85: {  	[tilespmem:s7+$0xFFFFFFD0] =	vst v2;
	v2 =	vbroadcast v6, $0x6;
	v6 =	vbroadcast v6, $0x7  }
0x86: {  	[tilespmem:s7+$0xFFFFFFE0] =	vst v4;
	v3 =	vmul.f32 v12, v3;
	v4 =	vmul.f32 v9, v8  }
.Ltmp6:
0x87: {  	[tilespmem:s7+$0xFFFFFFF0] =	vst v1;
	v1 =	vmul.f32 v7, v2;
	v2 =	vmul.f32 v5, v6;
	(pc) =	sbr.rel @p0 .LBB2_6-.Ltmp6, $4  }
0x88: {  	[tilespmem:s7+$0x0] =	vst v3  }
0x89: {  	[tilespmem:s7+$0x10] =	vst v4  }
0x8a: {  	s7 =	sadd.s32 $0x90, s7;
	[tilespmem:s9+$0x20] =	vst v1  }
0x8b: {  	s12 =	sshra.s32 s11, $0x2;
	s11 =	sadd.s32 $0x40, s11;
	v1 =	vld [tilespmem:s7+$0x40];
	[tilespmem:s9+$0x30] =	vst v2;
	s9 =	smov.u32 s7  }
0x8c: {  	v2 =	vld [tilespmem:s12+$0x8EA0];
	_ =	sdelay $0x4  }
0x8d: {  	v1 =	vadd.f32 v2, v1;
	_ =	sdelay $0x1  }
0x8e: {  	v2 =	vmul.f32 $2.000000030e-01, v1;
	_ =	sdelay $0x1  }
0x8f: {  	v1 =	vmax.f32 v1, v2  }
0x90: {  	v1 =	vmul.f32 $1.442695020e+00, v1;
	_ =	sdelay $0x1  }
0x91: {  	(erf) = vpow2.f32 v1;
	_ =	sdelay $0x6  }
0x92: {  	v3 =	vld [tilespmem:s7+$0xFFFFFFC0]  }
0x93: {  	v2 =	vld [tilespmem:s7+$0xFFFFFFD0]  }
0x94: {  	v4 =	vld [tilespmem:s7+$0xFFFFFFE0];
	v6 =	vpop (erf)  }
0x95: {  	v1 =	vld [tilespmem:s7+$0xFFFFFFF0];
	v7 =	vbroadcast v6, $0x0  }
0x96: {  	v8 =	vld [tilespmem:s7+$0x10];
	v9 =	vbroadcast v6, $0x1  }
0x97: {  	v10 =	vld [tilespmem:s7+$0x0];
	v11 =	vbroadcast v6, $0x2;
	v3 =	vmul.f32 v7, v3  }
0x98: {  	v60 =	vld [tilespmem:s7+$0x20];
	[tilespmem:s7+$0x40] =	vst v6;
	v59 =	vbroadcast v6, $0x3;
	v2 =	vmul.f32 v9, v2  }
0x99: {  	v5 =	vld [tilespmem:s7+$0x30];
	v61 =	vbroadcast v6, $0x5;
	v4 =	vmul.f32 v11, v4;
	[tilespmem:s7+$0xFFFFFFC0] =	vst v3  }
0x9a: {  	v1 =	vmul.f32 v1, v59;
	v3 =	vbroadcast v6, $0x4;
	[tilespmem:s7+$0xFFFFFFD0] =	vst v2  }
0x9b: {  	v63 =	vmul.f32 v8, v61;
	v2 =	vbroadcast v6, $0x6;
	[tilespmem:s7+$0xFFFFFFE0] =	vst v4  }
0x9c: {  	p0 =	seq.s32 s22, $0x0;
	v62 =	vbroadcast v6, $0x7;
	[tilespmem:s7+$0xFFFFFFF0] =	vst v1;
	v3 =	vmul.f32 v10, v3  }
.Ltmp7:
0x9d: {  	[tilespmem:s7+$0x10] =	vst v63;
	v1 =	vmul.f32 v60, v2;
	(pc) =	sbr.rel @p0 .LBB2_11-.Ltmp7, $4  }
0x9e: {  	v2 =	vmul.f32 v5, v62;
	[tilespmem:s7+$0x0] =	vst v3  }
0x9f: {  	[tilespmem:s9+$0x20] =	vst v1  }
0xa0: {  	[tilespmem:s9+$0x30] =	vst v2  }
0xa1: {  	[spmem:s3] =	stream.indirect.scatter.add.f32 [tilespmem:s18], [sflag:$0x3], $0x90, s21, s20, $0xb8;
	[tilespmem:$0x1FDD0] =	vst v63  }
.LBB2_8:
0xa2: {  	p0 =	seq.s32 s0, $0x4F  }
0xa3: {  	_ =	swait.ge [sflag:s23], $0x4650;
	s7 =	sadd.s32 @!p0 s6, s0  }
0xa4: {  	[sflag:s23] =	ssyncset.done $0x0;
	s7 =	sshll.u32 @!p0 s7, $0x5  }
0xa5: {  	s9 =	simm.s32 @!p0 $0x0;
	[sflag:s23] =	ssyncadd.s32 $0xFFFFB9B0;
	s7 =	sadd.s32 @!p0 s7, s8  }
0xa6: {  	[tilespmem:s9], [sflag:$0x5] =	stream.linear.gather @!p0 [hbm4b:s7+s9], $0x100, $0x38;
	[tilespmem:$0x1FDD0] =	vst v63  }
0xa7: {  	s7 =	simm.s32 @!p0 $0x5  }
0xa8: {  	_ =	swait.ge @!p0 [sflag:s7], $0x100  }
0xa9: {  	[sflag:s7] =	ssyncset.done @!p0 $0x0  }
0xaa: {  	s11 =	simm.s32 @!p0 $0x200;
	[sflag:s7] =	ssyncadd.s32 @!p0 $0xFFFFFF00;
	s7 =	simm.s32 @!p0 $0x7D  }
0xab: {  	[tilespmem:s11], [sflag:$0x1] =	stream.indirect.gather @!p0 [hbm4b:s5+s7], $0x90, s9, s7, $0xb8;
	[tilespmem:$0x1FDD0] =	vst v63  }
0xac: {  	s9 =	simm.s32 @!p0 $0x80;
	s11 =	simm.s32 @!p0 $0x8EA0  }
0xad: {  	[tilespmem:s11], [sflag:$0x1] =	stream.indirect.gather @!p0 [hbm4b:s2+s7], $0x10, s9, s7, $0xb8;
	[tilespmem:$0x1FDD0] =	vst v63  }
0xae: {  	_ =	swait.ge [sflag:s24], $0x4650  }
0xaf: {  	[sflag:s24] =	ssyncset.done $0x0  }
0xb0: {  	[sflag:s24] =	ssyncadd.s32 $0xFFFFB9B0  }
0xb1: {  	_ =	swait.ge [sflag:s24], $0x7D0  }
0xb2: {  	[sflag:s24] =	ssyncset.done $0x0  }
0xb3: {  	s7 =	simm.s32 $0x4890;
	[sflag:s24] =	ssyncadd.s32 $0xFFFFF830  }
0xb4: {  	s12 =	simm.s32 $0x0;
	s11 =	simm.s32 $0x40;
	s9 =	simm.s32 $0x4890;
	v1 =	vld [tilespmem:s7+$0x40]  }
.LBB2_9:
0xb5: {  	p0 =	sne.s32 s11, $0x1F00;
	v2 =	vld [tilespmem:s12+$0x9670];
	_ =	sdelay $0x4  }
0xb6: {  	v1 =	vadd.f32 v2, v1;
	_ =	sdelay $0x1  }
0xb7: {  	v2 =	vmul.f32 $2.000000030e-01, v1;
	_ =	sdelay $0x1  }
0xb8: {  	v1 =	vmax.f32 v1, v2  }
0xb9: {  	v1 =	vmul.f32 $1.442695020e+00, v1;
	_ =	sdelay $0x1  }
0xba: {  	(erf) = vpow2.f32 v1;
	_ =	sdelay $0x4  }
0xbb: {  	v1 =	vld [tilespmem:s7+$0xFFFFFFF0]  }
0xbc: {  	v2 =	vld [tilespmem:s7+$0xFFFFFFD0]  }
0xbd: {  	v3 =	vld [tilespmem:s7+$0xFFFFFFC0]  }
0xbe: {  	v4 =	vld [tilespmem:s7+$0xFFFFFFE0]  }
0xbf: {  	v5 =	vld [tilespmem:s7+$0x30];
	v6 =	vpop (erf)  }
0xc0: {  	v7 =	vbroadcast v6, $0x0;
	v8 =	vbroadcast v6, $0x1;
	v9 =	vld [tilespmem:s7+$0x10];
	[tilespmem:s7+$0x40] =	vst v6  }
0xc1: {  	v10 =	vbroadcast v6, $0x2;
	v11 =	vbroadcast v6, $0x3;
	v12 =	vld [tilespmem:s7+$0x0]  }
0xc2: {  	v3 =	vmul.f32 v7, v3;
	v2 =	vmul.f32 v8, v2;
	v7 =	vld [tilespmem:s7+$0x20]  }
0xc3: {  	v1 =	vmul.f32 v1, v11;
	v4 =	vmul.f32 v10, v4  }
0xc4: {  	v8 =	vbroadcast v6, $0x5;
	[tilespmem:s7+$0xFFFFFFC0] =	vst v3;
	v3 =	vbroadcast v6, $0x4  }
0xc5: {  	[tilespmem:s7+$0xFFFFFFD0] =	vst v2;
	v2 =	vbroadcast v6, $0x6;
	v6 =	vbroadcast v6, $0x7  }
0xc6: {  	[tilespmem:s7+$0xFFFFFFE0] =	vst v4;
	v3 =	vmul.f32 v12, v3;
	v4 =	vmul.f32 v9, v8  }
.Ltmp8:
0xc7: {  	[tilespmem:s7+$0xFFFFFFF0] =	vst v1;
	v1 =	vmul.f32 v7, v2;
	v2 =	vmul.f32 v5, v6;
	(pc) =	sbr.rel @p0 .LBB2_9-.Ltmp8, $4  }
0xc8: {  	[tilespmem:s7+$0x0] =	vst v3  }
0xc9: {  	[tilespmem:s7+$0x10] =	vst v4  }
0xca: {  	s7 =	sadd.s32 $0x90, s7;
	[tilespmem:s9+$0x20] =	vst v1  }
0xcb: {  	s12 =	sshra.s32 s11, $0x2;
	s11 =	sadd.s32 $0x40, s11;
	v1 =	vld [tilespmem:s7+$0x40];
	[tilespmem:s9+$0x30] =	vst v2;
	s9 =	smov.u32 s7  }
0xcc: {  	v2 =	vld [tilespmem:s12+$0x9670];
	_ =	sdelay $0x4  }
0xcd: {  	v1 =	vadd.f32 v2, v1;
	_ =	sdelay $0x1  }
0xce: {  	v2 =	vmul.f32 $2.000000030e-01, v1;
	_ =	sdelay $0x1  }
0xcf: {  	v1 =	vmax.f32 v1, v2  }
0xd0: {  	v1 =	vmul.f32 $1.442695020e+00, v1;
	_ =	sdelay $0x1  }
0xd1: {  	(erf) = vpow2.f32 v1;
	_ =	sdelay $0x6  }
0xd2: {  	v3 =	vld [tilespmem:s7+$0xFFFFFFC0]  }
0xd3: {  	v2 =	vld [tilespmem:s7+$0xFFFFFFD0]  }
0xd4: {  	v4 =	vld [tilespmem:s7+$0xFFFFFFE0];
	v6 =	vpop (erf)  }
0xd5: {  	v1 =	vld [tilespmem:s7+$0xFFFFFFF0];
	v7 =	vbroadcast v6, $0x0  }
0xd6: {  	v8 =	vld [tilespmem:s7+$0x10];
	v9 =	vbroadcast v6, $0x1  }
0xd7: {  	v10 =	vld [tilespmem:s7+$0x0];
	v11 =	vbroadcast v6, $0x2;
	v3 =	vmul.f32 v7, v3  }
0xd8: {  	v60 =	vld [tilespmem:s7+$0x20];
	[tilespmem:s7+$0x40] =	vst v6;
	v59 =	vbroadcast v6, $0x3;
	v2 =	vmul.f32 v9, v2  }
0xd9: {  	v5 =	vld [tilespmem:s7+$0x30];
	v61 =	vbroadcast v6, $0x5;
	v4 =	vmul.f32 v11, v4;
	[tilespmem:s7+$0xFFFFFFC0] =	vst v3  }
0xda: {  	v1 =	vmul.f32 v1, v59;
	v3 =	vbroadcast v6, $0x4;
	[tilespmem:s7+$0xFFFFFFD0] =	vst v2  }
0xdb: {  	v63 =	vmul.f32 v8, v61;
	v2 =	vbroadcast v6, $0x6;
	[tilespmem:s7+$0xFFFFFFE0] =	vst v4  }
0xdc: {  	v62 =	vbroadcast v6, $0x7;
	[tilespmem:s7+$0xFFFFFFF0] =	vst v1;
	v3 =	vmul.f32 v10, v3  }
.Ltmp9:
0xdd: {  	[tilespmem:s7+$0x10] =	vst v63;
	v1 =	vmul.f32 v60, v2;
	(pc) =	sbr.rel .LBB2_11-.Ltmp9, $4  }
0xde: {  	v2 =	vmul.f32 v5, v62;
	[tilespmem:s7+$0x0] =	vst v3  }
0xdf: {  	[tilespmem:s9+$0x20] =	vst v1  }
0xe0: {  	[tilespmem:s9+$0x30] =	vst v2  }
0xe1: {  	[spmem:s3] =	stream.indirect.scatter.add.f32 [tilespmem:s28], [sflag:$0x4], $0x90, s26, s20, $0xb8;
	[tilespmem:$0x1FDD0] =	vst v63  }
.LBB2_13:
0xe2: {  	_ =	sfence.sel $0x180000  }
0xe3: {  	[bflag:$0x0] =	sbarrier.arrive $0xFFFF  }
0xe4: {  	_ =	strace $0x90000047  }
0xe5: {  	s0 =	stileid.u32;
	[bflag:$0x2] =	sbarrier.arrive $0xFFFF  }
0xe6: {  	p0 =	sne.s32 s0, $0x0;
	s0 =	rddreg [dreg:$0x3]  }
0xe7: {  	s0 =	sadd.s32 @!p0 $0x100000, s0  }
0xe8: {  	[sflag:s0] =	ssyncadd.tile.s32 @!p0 $0x1;
	_ =	shalt  }
.Lfunc_end2:
_tile_overlayer_lowered:
.L_overlay_start_2:
0xe9: {  	(tag) =	ssettag $0x2  }
0xea: {  	s0 =	rddreg [dreg:$0x0];
	s2 =	stileid.u32  }
0xeb: {  	s1 =	rddreg [dreg:$0x1];
	p0 =	sne.s32 s2, $0x0  }
0xec: {  	s3 =	rddreg [dreg:$0x2];
	[bflag:$0x3] =	sbarrier.arrive $0xFFFF;
	s2 =	simm.s32 @!p0 $0x1C05  }
0xed: {  	[timem:s3], [sflag:s2] =	dma.local @!p0 [hbm:s0], s1  }
0xee: {  	s0 =	simm.s32 @!p0 $0x5  }
0xef: {  	_ =	swait.ge @!p0 [sflag:s0], s1  }
0xf0: {  	s1 =	ssub.s32 @!p0 $0x0, s1;
	[sflag:s0] =	ssyncset.done @!p0 $0x0  }
0xf1: {  	[sflag:s0] =	ssyncadd.s32 @!p0 s1  }
0xf2: {  	[bflag:$0x3] =	sbarrier.arrive $0xFFFF  }
0xf3: {  	_ =	shalt  }

</sc_bundles>
